<compile_context>
chip_gen: v7x
topology: tpu7x:2x2x1
jax: 0.10.2.dev20260603
libtpu: 0.0.44.dev20260713+nightly
codegen_flags: <defaults>
</compile_context>

<pallas_src>
import functools

import jax
import jax.numpy as jnp
from jax import lax
from jax.experimental import pallas as pl
from jax.experimental.pallas import tpu as pltpu
from jax.experimental.pallas import tpu_sc as plsc

HIDDEN = 128
NUM_CORES = 2
NUM_SUBCORES = 16
NW = NUM_CORES * NUM_SUBCORES
NBUF = 10

_mesh = plsc.VectorSubcoreMesh(core_axis_name="c", subcore_axis_name="s")


@functools.partial(jax.jit, static_argnames=("chunk", "nchunk"))
def _sc_gather(idx, table, *, chunk, nchunk):
    b = idx.shape[0]
    bpw = b // NW
    ngroups = nchunk // NBUF

    @functools.partial(
        pl.kernel,
        mesh=_mesh,
        out_type=jax.ShapeDtypeStruct((b, HIDDEN), jnp.float32),
        scratch_types=[
            pltpu.VMEM((bpw,), jnp.int32),
            pltpu.VMEM((NBUF, chunk, HIDDEN), jnp.float32),
            pltpu.VMEM_SHARED((1000, HIDDEN), jnp.float32),
            [pltpu.SemaphoreType.DMA] * NBUF,
            [pltpu.SemaphoreType.DMA] * NBUF,
        ],
    )
    def body(idx_hbm, table_hbm, out_hbm, idx_v, rows_v, table_sh, gsems, ssems):
        sid = lax.axis_index("s")
        wid = sid * NUM_CORES + lax.axis_index("c")
        base = wid * bpw

        @pl.when(sid == 0)
        def _stage_table():
            pltpu.sync_copy(table_hbm, table_sh)

        pltpu.sync_copy(idx_hbm.at[pl.ds(base, bpw)], idx_v)
        plsc.subcore_barrier()

        def gather(g, buf):
            src = table_sh.at[idx_v.at[pl.ds(g * chunk, chunk)]]
            pltpu.async_copy(src, rows_v.at[buf], gsems[buf])

        def gather_wait(buf):
            pltpu.make_async_copy(
                table_hbm.at[pl.ds(0, chunk)], rows_v.at[buf], gsems[buf]
            ).wait()

        def scatter(g, buf):
            dst = out_hbm.at[pl.ds(base + g * chunk, chunk)]
            pltpu.async_copy(rows_v.at[buf], dst, ssems[buf])

        def scatter_wait(buf):
            pltpu.make_async_copy(
                rows_v.at[buf], out_hbm.at[pl.ds(base, chunk)], ssems[buf]
            ).wait()

        for buf in range(NBUF):
            gather(buf, buf)

        def group(p, _):
            for buf in range(NBUF):
                gather_wait(buf)
                scatter(p * NBUF + buf, buf)

            @pl.when(p + 1 < ngroups)
            def _refill():
                for buf in range(NBUF):
                    scatter_wait(buf)
                    gather((p + 1) * NBUF + buf, buf)

            return ()

        lax.fori_loop(0, ngroups, group, ())
        for buf in range(NBUF):
            scatter_wait(buf)

    return body(idx, table)


def kernel(input_ids, table):
    ids_flat = input_ids.reshape(-1).astype(jnp.int32)
    b = ids_flat.shape[0]
    chunk = 64
    nchunk = (b // NW) // chunk
    assert b % (NW * chunk * NBUF) == 0
    out = _sc_gather(ids_flat, table, chunk=chunk, nchunk=nchunk)
    return out.reshape(input_ids.shape + (HIDDEN,))

# --- scband reference (transcript-rebuilt; emitter-appended) ---
"""Pipeline reference for scband-dummy-backbone-34291018891491 (READ-ONLY COPY).

The authoritative reference and input builder live on the scoring server;
editing this copy changes nothing except your own understanding.
"""

import jax, jax.numpy as jnp
import numpy as np

VOCAB = 1000
HIDDEN = 128

def setup_inputs(seed: int = 0) -> dict:
    key = jax.random.key(seed)
    k1, k2 = jax.random.split(key)
    input_ids = jax.random.randint(k1, (4096, 200), 0, VOCAB, dtype=jnp.int64 if jax.config.jax_enable_x64 else jnp.int32)
    table = jax.random.normal(k2, (VOCAB, HIDDEN), dtype=jnp.float32)
    return {"input_ids": input_ids, "table": table}

def reference(input_ids, table):
    # DummyBackbone.forward: embeddings = self.embedding(input_ids)
    embeddings = jnp.take(table, input_ids, axis=0)
    return embeddings

if __name__ == "__main__":
    import jax
    _d = setup_inputs()
    print(jax.jit(kernel)(*tuple(_d.values())))

</pallas_src>

<mosaic_0001>
#map = affine_map<(d0, d1) -> (0)>
#map1 = affine_map<(d0, d1) -> (0, 0)>
module attributes {stable_mosaic.version = 14 : i64} {
  func.func @body(%arg0: i32, %arg1: i32, %arg2: memref<819200xi32, #tpu.memory_space<hbm>>, %arg3: memref<1000x128xf32, #tpu.memory_space<hbm>>, %arg4: memref<819200x128xf32, #tpu.memory_space<hbm>>, %arg5: memref<25600xi32, #tpu.memory_space<vmem>>, %arg6: memref<10x64x128xf32, #tpu.memory_space<vmem>>, %arg7: memref<1000x128xf32, #tpu.memory_space<vmem_shared>>, %arg8: memref<!tpu.dma_semaphore, #tpu.memory_space<semaphore_mem>>, %arg9: memref<!tpu.dma_semaphore, #tpu.memory_space<semaphore_mem>>, %arg10: memref<!tpu.dma_semaphore, #tpu.memory_space<semaphore_mem>>, %arg11: memref<!tpu.dma_semaphore, #tpu.memory_space<semaphore_mem>>, %arg12: memref<!tpu.dma_semaphore, #tpu.memory_space<semaphore_mem>>, %arg13: memref<!tpu.dma_semaphore, #tpu.memory_space<semaphore_mem>>, %arg14: memref<!tpu.dma_semaphore, #tpu.memory_space<semaphore_mem>>, %arg15: memref<!tpu.dma_semaphore, #tpu.memory_space<semaphore_mem>>, %arg16: memref<!tpu.dma_semaphore, #tpu.memory_space<semaphore_mem>>, %arg17: memref<!tpu.dma_semaphore, #tpu.memory_space<semaphore_mem>>, %arg18: memref<!tpu.dma_semaphore, #tpu.memory_space<semaphore_mem>>, %arg19: memref<!tpu.dma_semaphore, #tpu.memory_space<semaphore_mem>>, %arg20: memref<!tpu.dma_semaphore, #tpu.memory_space<semaphore_mem>>, %arg21: memref<!tpu.dma_semaphore, #tpu.memory_space<semaphore_mem>>, %arg22: memref<!tpu.dma_semaphore, #tpu.memory_space<semaphore_mem>>, %arg23: memref<!tpu.dma_semaphore, #tpu.memory_space<semaphore_mem>>, %arg24: memref<!tpu.dma_semaphore, #tpu.memory_space<semaphore_mem>>, %arg25: memref<!tpu.dma_semaphore, #tpu.memory_space<semaphore_mem>>, %arg26: memref<!tpu.dma_semaphore, #tpu.memory_space<semaphore_mem>>, %arg27: memref<!tpu.dma_semaphore, #tpu.memory_space<semaphore_mem>>) attributes {dimension_semantics = [#tpu.dimension_semantics<core_parallel>, #tpu.dimension_semantics<subcore_parallel>], iteration_bounds = array<i64: 2, 16>, scalar_prefetch = 0 : i64, scratch_operands = 23 : i64, tpu.core_type = #tpu.core_type<sc_vector_subcore>, window_params = [{transform_indices = #map}, {transform_indices = #map1}, {transform_indices = #map1}]} {
    %mul3A = arith.constant 2 : i32
    %mul3A_0 = arith.muli %arg1, %mul3A : i32
    %add3A = arith.addi %mul3A_0, %arg0 : i32
    %mul3A_1 = arith.constant 25600 : i32
    %mul3A_2 = arith.muli %add3A, %mul3A_1 : i32
    %eq3A = arith.constant 0 : i32
    %eq3A_3 = arith.cmpi eq, %arg1, %eq3A : i32
    %convert_element_type3A = arith.extui %eq3A_3 : i1 to i32
    %cond3A = arith.constant 0 : i32
    %cond3A_4 = arith.cmpi ne, %convert_element_type3A, %cond3A : i32
    scf.if %cond3A_4 {
      "tpu.region"() ({
        %run_scoped3A = tpu.sem_alloc : memref<!tpu.dma_semaphore, #tpu.memory_space<semaphore_mem>>
        tpu.enqueue_dma source(%arg3 : memref<1000x128xf32, #tpu.memory_space<hbm>>) target(%arg7 : memref<1000x128xf32, #tpu.memory_space<vmem_shared>>) target_semaphore(%run_scoped3A : memref<!tpu.dma_semaphore, #tpu.memory_space<semaphore_mem>>)
        tpu.wait_dma2 semaphore(%run_scoped3A : memref<!tpu.dma_semaphore, #tpu.memory_space<semaphore_mem>>) src(%arg3 : memref<1000x128xf32, #tpu.memory_space<hbm>>) dst(%arg7 : memref<1000x128xf32, #tpu.memory_space<vmem_shared>>)
        tpu.yield
      }) : () -> ()
    } else {
    }
    "tpu.region"() ({
      %run_scoped3A = tpu.sem_alloc : memref<!tpu.dma_semaphore, #tpu.memory_space<semaphore_mem>>
      %dma_start3A_237 = tpu.memref_slice %arg2[%mul3A_2] : memref<819200xi32, #tpu.memory_space<hbm>> -> memref<25600xi32, #tpu.memory_space<hbm>>
      %dma_start3A_238 = tpu.memref_slice %arg2[%mul3A_2] : memref<819200xi32, #tpu.memory_space<hbm>> -> memref<25600xi32, #tpu.memory_space<hbm>>
      tpu.enqueue_dma source(%dma_start3A_238 : memref<25600xi32, #tpu.memory_space<hbm>>) target(%arg5 : memref<25600xi32, #tpu.memory_space<vmem>>) target_semaphore(%run_scoped3A : memref<!tpu.dma_semaphore, #tpu.memory_space<semaphore_mem>>)
      %dma_wait3A_239 = tpu.memref_slice %arg2[%mul3A_2] : memref<819200xi32, #tpu.memory_space<hbm>> -> memref<25600xi32, #tpu.memory_space<hbm>>
      %dma_wait3A_240 = tpu.memref_slice %arg2[%mul3A_2] : memref<819200xi32, #tpu.memory_space<hbm>> -> memref<25600xi32, #tpu.memory_space<hbm>>
      tpu.wait_dma2 semaphore(%run_scoped3A : memref<!tpu.dma_semaphore, #tpu.memory_space<semaphore_mem>>) src(%dma_wait3A_240 : memref<25600xi32, #tpu.memory_space<hbm>>) dst(%arg5 : memref<25600xi32, #tpu.memory_space<vmem>>)
      tpu.yield
    }) : () -> ()
    %barrier3A = arith.constant 0 : index
    tpu.barrier barrier_id(%barrier3A)
    %dma_start3A = arith.constant 0 : i32
    %dma_start3A_5 = arith.constant 0 : i32
    %dma_start3A_6 = arith.constant 0 : i32
    %dma_start3A_7 = tpu.memref_slice %arg6[%dma_start3A, %dma_start3A_5, %dma_start3A_6] : memref<10x64x128xf32, #tpu.memory_space<vmem>> -> memref<1x64x128xf32, #tpu.memory_space<vmem>>
    %dma_start3A_8 = tpu.memref_squeeze %dma_start3A_7 : memref<1x64x128xf32, #tpu.memory_space<vmem>> -> memref<64x128xf32, #tpu.memory_space<vmem>>
    %dma_start3A_9 = arith.constant 0 : i32
    %dma_start3A_10 = tpu.memref_slice %arg5[%dma_start3A_9] : memref<25600xi32, #tpu.memory_space<vmem>> -> memref<64xi32, #tpu.memory_space<vmem>>
    %dma_start3A_11 = arith.constant 0 : i32
    %dma_start3A_12 = arith.constant 0 : i32
    %dma_start3A_13 = tpu.memref_slice %arg7[%dma_start3A_11, %dma_start3A_12] : memref<1000x128xf32, #tpu.memory_space<vmem_shared>> -> memref<1000x128xf32, #tpu.memory_space<vmem_shared>>
    tpu.enqueue_indirect_dma source(%dma_start3A_13 : memref<1000x128xf32, #tpu.memory_space<vmem_shared>>) target(%dma_start3A_8 : memref<64x128xf32, #tpu.memory_space<vmem>>) offsets(%dma_start3A_10 : memref<64xi32, #tpu.memory_space<vmem>>) semaphore(%arg8 : memref<!tpu.dma_semaphore, #tpu.memory_space<semaphore_mem>>)
    %dma_start3A_14 = arith.constant 1 : i32
    %dma_start3A_15 = arith.constant 0 : i32
    %dma_start3A_16 = arith.constant 0 : i32
    %dma_start3A_17 = tpu.memref_slice %arg6[%dma_start3A_14, %dma_start3A_15, %dma_start3A_16] : memref<10x64x128xf32, #tpu.memory_space<vmem>> -> memref<1x64x128xf32, #tpu.memory_space<vmem>>
    %dma_start3A_18 = tpu.memref_squeeze %dma_start3A_17 : memref<1x64x128xf32, #tpu.memory_space<vmem>> -> memref<64x128xf32, #tpu.memory_space<vmem>>
    %dma_start3A_19 = arith.constant 64 : i32
    %dma_start3A_20 = tpu.memref_slice %arg5[%dma_start3A_19] : memref<25600xi32, #tpu.memory_space<vmem>> -> memref<64xi32, #tpu.memory_space<vmem>>
    %dma_start3A_21 = arith.constant 0 : i32
    %dma_start3A_22 = arith.constant 0 : i32
    %dma_start3A_23 = tpu.memref_slice %arg7[%dma_start3A_21, %dma_start3A_22] : memref<1000x128xf32, #tpu.memory_space<vmem_shared>> -> memref<1000x128xf32, #tpu.memory_space<vmem_shared>>
    tpu.enqueue_indirect_dma source(%dma_start3A_23 : memref<1000x128xf32, #tpu.memory_space<vmem_shared>>) target(%dma_start3A_18 : memref<64x128xf32, #tpu.memory_space<vmem>>) offsets(%dma_start3A_20 : memref<64xi32, #tpu.memory_space<vmem>>) semaphore(%arg9 : memref<!tpu.dma_semaphore, #tpu.memory_space<semaphore_mem>>)
    %dma_start3A_24 = arith.constant 2 : i32
    %dma_start3A_25 = arith.constant 0 : i32
    %dma_start3A_26 = arith.constant 0 : i32
    %dma_start3A_27 = tpu.memref_slice %arg6[%dma_start3A_24, %dma_start3A_25, %dma_start3A_26] : memref<10x64x128xf32, #tpu.memory_space<vmem>> -> memref<1x64x128xf32, #tpu.memory_space<vmem>>
    %dma_start3A_28 = tpu.memref_squeeze %dma_start3A_27 : memref<1x64x128xf32, #tpu.memory_space<vmem>> -> memref<64x128xf32, #tpu.memory_space<vmem>>
    %dma_start3A_29 = arith.constant 128 : i32
    %dma_start3A_30 = tpu.memref_slice %arg5[%dma_start3A_29] : memref<25600xi32, #tpu.memory_space<vmem>> -> memref<64xi32, #tpu.memory_space<vmem>>
    %dma_start3A_31 = arith.constant 0 : i32
    %dma_start3A_32 = arith.constant 0 : i32
    %dma_start3A_33 = tpu.memref_slice %arg7[%dma_start3A_31, %dma_start3A_32] : memref<1000x128xf32, #tpu.memory_space<vmem_shared>> -> memref<1000x128xf32, #tpu.memory_space<vmem_shared>>
    tpu.enqueue_indirect_dma source(%dma_start3A_33 : memref<1000x128xf32, #tpu.memory_space<vmem_shared>>) target(%dma_start3A_28 : memref<64x128xf32, #tpu.memory_space<vmem>>) offsets(%dma_start3A_30 : memref<64xi32, #tpu.memory_space<vmem>>) semaphore(%arg10 : memref<!tpu.dma_semaphore, #tpu.memory_space<semaphore_mem>>)
    %dma_start3A_34 = arith.constant 3 : i32
    %dma_start3A_35 = arith.constant 0 : i32
    %dma_start3A_36 = arith.constant 0 : i32
    %dma_start3A_37 = tpu.memref_slice %arg6[%dma_start3A_34, %dma_start3A_35, %dma_start3A_36] : memref<10x64x128xf32, #tpu.memory_space<vmem>> -> memref<1x64x128xf32, #tpu.memory_space<vmem>>
    %dma_start3A_38 = tpu.memref_squeeze %dma_start3A_37 : memref<1x64x128xf32, #tpu.memory_space<vmem>> -> memref<64x128xf32, #tpu.memory_space<vmem>>
    %dma_start3A_39 = arith.constant 192 : i32
    %dma_start3A_40 = tpu.memref_slice %arg5[%dma_start3A_39] : memref<25600xi32, #tpu.memory_space<vmem>> -> memref<64xi32, #tpu.memory_space<vmem>>
    %dma_start3A_41 = arith.constant 0 : i32
    %dma_start3A_42 = arith.constant 0 : i32
    %dma_start3A_43 = tpu.memref_slice %arg7[%dma_start3A_41, %dma_start3A_42] : memref<1000x128xf32, #tpu.memory_space<vmem_shared>> -> memref<1000x128xf32, #tpu.memory_space<vmem_shared>>
    tpu.enqueue_indirect_dma source(%dma_start3A_43 : memref<1000x128xf32, #tpu.memory_space<vmem_shared>>) target(%dma_start3A_38 : memref<64x128xf32, #tpu.memory_space<vmem>>) offsets(%dma_start3A_40 : memref<64xi32, #tpu.memory_space<vmem>>) semaphore(%arg11 : memref<!tpu.dma_semaphore, #tpu.memory_space<semaphore_mem>>)
    %dma_start3A_44 = arith.constant 4 : i32
    %dma_start3A_45 = arith.constant 0 : i32
    %dma_start3A_46 = arith.constant 0 : i32
    %dma_start3A_47 = tpu.memref_slice %arg6[%dma_start3A_44, %dma_start3A_45, %dma_start3A_46] : memref<10x64x128xf32, #tpu.memory_space<vmem>> -> memref<1x64x128xf32, #tpu.memory_space<vmem>>
    %dma_start3A_48 = tpu.memref_squeeze %dma_start3A_47 : memref<1x64x128xf32, #tpu.memory_space<vmem>> -> memref<64x128xf32, #tpu.memory_space<vmem>>
    %dma_start3A_49 = arith.constant 256 : i32
    %dma_start3A_50 = tpu.memref_slice %arg5[%dma_start3A_49] : memref<25600xi32, #tpu.memory_space<vmem>> -> memref<64xi32, #tpu.memory_space<vmem>>
    %dma_start3A_51 = arith.constant 0 : i32
    %dma_start3A_52 = arith.constant 0 : i32
    %dma_start3A_53 = tpu.memref_slice %arg7[%dma_start3A_51, %dma_start3A_52] : memref<1000x128xf32, #tpu.memory_space<vmem_shared>> -> memref<1000x128xf32, #tpu.memory_space<vmem_shared>>
    tpu.enqueue_indirect_dma source(%dma_start3A_53 : memref<1000x128xf32, #tpu.memory_space<vmem_shared>>) target(%dma_start3A_48 : memref<64x128xf32, #tpu.memory_space<vmem>>) offsets(%dma_start3A_50 : memref<64xi32, #tpu.memory_space<vmem>>) semaphore(%arg12 : memref<!tpu.dma_semaphore, #tpu.memory_space<semaphore_mem>>)
    %dma_start3A_54 = arith.constant 5 : i32
    %dma_start3A_55 = arith.constant 0 : i32
    %dma_start3A_56 = arith.constant 0 : i32
    %dma_start3A_57 = tpu.memref_slice %arg6[%dma_start3A_54, %dma_start3A_55, %dma_start3A_56] : memref<10x64x128xf32, #tpu.memory_space<vmem>> -> memref<1x64x128xf32, #tpu.memory_space<vmem>>
    %dma_start3A_58 = tpu.memref_squeeze %dma_start3A_57 : memref<1x64x128xf32, #tpu.memory_space<vmem>> -> memref<64x128xf32, #tpu.memory_space<vmem>>
    %dma_start3A_59 = arith.constant 320 : i32
    %dma_start3A_60 = tpu.memref_slice %arg5[%dma_start3A_59] : memref<25600xi32, #tpu.memory_space<vmem>> -> memref<64xi32, #tpu.memory_space<vmem>>
    %dma_start3A_61 = arith.constant 0 : i32
    %dma_start3A_62 = arith.constant 0 : i32
    %dma_start3A_63 = tpu.memref_slice %arg7[%dma_start3A_61, %dma_start3A_62] : memref<1000x128xf32, #tpu.memory_space<vmem_shared>> -> memref<1000x128xf32, #tpu.memory_space<vmem_shared>>
    tpu.enqueue_indirect_dma source(%dma_start3A_63 : memref<1000x128xf32, #tpu.memory_space<vmem_shared>>) target(%dma_start3A_58 : memref<64x128xf32, #tpu.memory_space<vmem>>) offsets(%dma_start3A_60 : memref<64xi32, #tpu.memory_space<vmem>>) semaphore(%arg13 : memref<!tpu.dma_semaphore, #tpu.memory_space<semaphore_mem>>)
    %dma_start3A_64 = arith.constant 6 : i32
    %dma_start3A_65 = arith.constant 0 : i32
    %dma_start3A_66 = arith.constant 0 : i32
    %dma_start3A_67 = tpu.memref_slice %arg6[%dma_start3A_64, %dma_start3A_65, %dma_start3A_66] : memref<10x64x128xf32, #tpu.memory_space<vmem>> -> memref<1x64x128xf32, #tpu.memory_space<vmem>>
    %dma_start3A_68 = tpu.memref_squeeze %dma_start3A_67 : memref<1x64x128xf32, #tpu.memory_space<vmem>> -> memref<64x128xf32, #tpu.memory_space<vmem>>
    %dma_start3A_69 = arith.constant 384 : i32
    %dma_start3A_70 = tpu.memref_slice %arg5[%dma_start3A_69] : memref<25600xi32, #tpu.memory_space<vmem>> -> memref<64xi32, #tpu.memory_space<vmem>>
    %dma_start3A_71 = arith.constant 0 : i32
    %dma_start3A_72 = arith.constant 0 : i32
    %dma_start3A_73 = tpu.memref_slice %arg7[%dma_start3A_71, %dma_start3A_72] : memref<1000x128xf32, #tpu.memory_space<vmem_shared>> -> memref<1000x128xf32, #tpu.memory_space<vmem_shared>>
    tpu.enqueue_indirect_dma source(%dma_start3A_73 : memref<1000x128xf32, #tpu.memory_space<vmem_shared>>) target(%dma_start3A_68 : memref<64x128xf32, #tpu.memory_space<vmem>>) offsets(%dma_start3A_70 : memref<64xi32, #tpu.memory_space<vmem>>) semaphore(%arg14 : memref<!tpu.dma_semaphore, #tpu.memory_space<semaphore_mem>>)
    %dma_start3A_74 = arith.constant 7 : i32
    %dma_start3A_75 = arith.constant 0 : i32
    %dma_start3A_76 = arith.constant 0 : i32
    %dma_start3A_77 = tpu.memref_slice %arg6[%dma_start3A_74, %dma_start3A_75, %dma_start3A_76] : memref<10x64x128xf32, #tpu.memory_space<vmem>> -> memref<1x64x128xf32, #tpu.memory_space<vmem>>
    %dma_start3A_78 = tpu.memref_squeeze %dma_start3A_77 : memref<1x64x128xf32, #tpu.memory_space<vmem>> -> memref<64x128xf32, #tpu.memory_space<vmem>>
    %dma_start3A_79 = arith.constant 448 : i32
    %dma_start3A_80 = tpu.memref_slice %arg5[%dma_start3A_79] : memref<25600xi32, #tpu.memory_space<vmem>> -> memref<64xi32, #tpu.memory_space<vmem>>
    %dma_start3A_81 = arith.constant 0 : i32
    %dma_start3A_82 = arith.constant 0 : i32
    %dma_start3A_83 = tpu.memref_slice %arg7[%dma_start3A_81, %dma_start3A_82] : memref<1000x128xf32, #tpu.memory_space<vmem_shared>> -> memref<1000x128xf32, #tpu.memory_space<vmem_shared>>
    tpu.enqueue_indirect_dma source(%dma_start3A_83 : memref<1000x128xf32, #tpu.memory_space<vmem_shared>>) target(%dma_start3A_78 : memref<64x128xf32, #tpu.memory_space<vmem>>) offsets(%dma_start3A_80 : memref<64xi32, #tpu.memory_space<vmem>>) semaphore(%arg15 : memref<!tpu.dma_semaphore, #tpu.memory_space<semaphore_mem>>)
    %dma_start3A_84 = arith.constant 8 : i32
    %dma_start3A_85 = arith.constant 0 : i32
    %dma_start3A_86 = arith.constant 0 : i32
    %dma_start3A_87 = tpu.memref_slice %arg6[%dma_start3A_84, %dma_start3A_85, %dma_start3A_86] : memref<10x64x128xf32, #tpu.memory_space<vmem>> -> memref<1x64x128xf32, #tpu.memory_space<vmem>>
    %dma_start3A_88 = tpu.memref_squeeze %dma_start3A_87 : memref<1x64x128xf32, #tpu.memory_space<vmem>> -> memref<64x128xf32, #tpu.memory_space<vmem>>
    %dma_start3A_89 = arith.constant 512 : i32
    %dma_start3A_90 = tpu.memref_slice %arg5[%dma_start3A_89] : memref<25600xi32, #tpu.memory_space<vmem>> -> memref<64xi32, #tpu.memory_space<vmem>>
    %dma_start3A_91 = arith.constant 0 : i32
    %dma_start3A_92 = arith.constant 0 : i32
    %dma_start3A_93 = tpu.memref_slice %arg7[%dma_start3A_91, %dma_start3A_92] : memref<1000x128xf32, #tpu.memory_space<vmem_shared>> -> memref<1000x128xf32, #tpu.memory_space<vmem_shared>>
    tpu.enqueue_indirect_dma source(%dma_start3A_93 : memref<1000x128xf32, #tpu.memory_space<vmem_shared>>) target(%dma_start3A_88 : memref<64x128xf32, #tpu.memory_space<vmem>>) offsets(%dma_start3A_90 : memref<64xi32, #tpu.memory_space<vmem>>) semaphore(%arg16 : memref<!tpu.dma_semaphore, #tpu.memory_space<semaphore_mem>>)
    %dma_start3A_94 = arith.constant 9 : i32
    %dma_start3A_95 = arith.constant 0 : i32
    %dma_start3A_96 = arith.constant 0 : i32
    %dma_start3A_97 = tpu.memref_slice %arg6[%dma_start3A_94, %dma_start3A_95, %dma_start3A_96] : memref<10x64x128xf32, #tpu.memory_space<vmem>> -> memref<1x64x128xf32, #tpu.memory_space<vmem>>
    %dma_start3A_98 = tpu.memref_squeeze %dma_start3A_97 : memref<1x64x128xf32, #tpu.memory_space<vmem>> -> memref<64x128xf32, #tpu.memory_space<vmem>>
    %dma_start3A_99 = arith.constant 576 : i32
    %dma_start3A_100 = tpu.memref_slice %arg5[%dma_start3A_99] : memref<25600xi32, #tpu.memory_space<vmem>> -> memref<64xi32, #tpu.memory_space<vmem>>
    %dma_start3A_101 = arith.constant 0 : i32
    %dma_start3A_102 = arith.constant 0 : i32
    %dma_start3A_103 = tpu.memref_slice %arg7[%dma_start3A_101, %dma_start3A_102] : memref<1000x128xf32, #tpu.memory_space<vmem_shared>> -> memref<1000x128xf32, #tpu.memory_space<vmem_shared>>
    tpu.enqueue_indirect_dma source(%dma_start3A_103 : memref<1000x128xf32, #tpu.memory_space<vmem_shared>>) target(%dma_start3A_98 : memref<64x128xf32, #tpu.memory_space<vmem>>) offsets(%dma_start3A_100 : memref<64xi32, #tpu.memory_space<vmem>>) semaphore(%arg17 : memref<!tpu.dma_semaphore, #tpu.memory_space<semaphore_mem>>)
    %scan3A = arith.constant 0 : i32
    %scan3A_104 = arith.constant 40 : i32
    %scan3A_105 = arith.addi %scan3A, %scan3A_104 : i32
    %scan3A_106 = arith.constant 1 : i32
    scf.for %scan3A_237 = %scan3A to %scan3A_105 step %scan3A_106  : i32 {
      %dma_wait3A_238 = arith.constant 0 : i32
      %dma_wait3A_239 = arith.constant 0 : i32
      %dma_wait3A_240 = arith.constant 0 : i32
      %dma_wait3A_241 = tpu.memref_slice %arg6[%dma_wait3A_238, %dma_wait3A_239, %dma_wait3A_240] : memref<10x64x128xf32, #tpu.memory_space<vmem>> -> memref<1x64x128xf32, #tpu.memory_space<vmem>>
      %dma_wait3A_242 = tpu.memref_squeeze %dma_wait3A_241 : memref<1x64x128xf32, #tpu.memory_space<vmem>> -> memref<64x128xf32, #tpu.memory_space<vmem>>
      %dma_wait3A_243 = arith.constant 0 : i32
      %dma_wait3A_244 = arith.constant 0 : i32
      %dma_wait3A_245 = tpu.memref_slice %arg3[%dma_wait3A_243, %dma_wait3A_244] : memref<1000x128xf32, #tpu.memory_space<hbm>> -> memref<64x128xf32, #tpu.memory_space<hbm>>
      %dma_wait3A_246 = arith.constant 0 : i32
      %dma_wait3A_247 = arith.constant 0 : i32
      %dma_wait3A_248 = tpu.memref_slice %arg6[%dma_wait3A_238, %dma_wait3A_246, %dma_wait3A_247] : memref<10x64x128xf32, #tpu.memory_space<vmem>> -> memref<1x64x128xf32, #tpu.memory_space<vmem>>
      %dma_wait3A_249 = tpu.memref_squeeze %dma_wait3A_248 : memref<1x64x128xf32, #tpu.memory_space<vmem>> -> memref<64x128xf32, #tpu.memory_space<vmem>>
      %dma_wait3A_250 = arith.constant 0 : i32
      %dma_wait3A_251 = arith.constant 0 : i32
      %dma_wait3A_252 = tpu.memref_slice %arg3[%dma_wait3A_250, %dma_wait3A_251] : memref<1000x128xf32, #tpu.memory_space<hbm>> -> memref<64x128xf32, #tpu.memory_space<hbm>>
      tpu.wait_dma2 semaphore(%arg8 : memref<!tpu.dma_semaphore, #tpu.memory_space<semaphore_mem>>) src(%dma_wait3A_252 : memref<64x128xf32, #tpu.memory_space<hbm>>) dst(%dma_wait3A_249 : memref<64x128xf32, #tpu.memory_space<vmem>>)
      %mul3A_253 = arith.constant 10 : i32
      %mul3A_254 = arith.muli %scan3A_237, %mul3A_253 : i32
      %add3A_255 = arith.constant 0 : i32
      %add3A_256 = arith.addi %mul3A_254, %add3A_255 : i32
      %mul3A_257 = arith.constant 64 : i32
      %mul3A_258 = arith.muli %add3A_256, %mul3A_257 : i32
      %add3A_259 = arith.addi %mul3A_2, %mul3A_258 : i32
      %dma_start3A_260 = arith.constant 0 : i32
      %dma_start3A_261 = arith.constant 0 : i32
      %dma_start3A_262 = arith.constant 0 : i32
      %dma_start3A_263 = tpu.memref_slice %arg6[%dma_start3A_260, %dma_start3A_261, %dma_start3A_262] : memref<10x64x128xf32, #tpu.memory_space<vmem>> -> memref<1x64x128xf32, #tpu.memory_space<vmem>>
      %dma_start3A_264 = tpu.memref_squeeze %dma_start3A_263 : memref<1x64x128xf32, #tpu.memory_space<vmem>> -> memref<64x128xf32, #tpu.memory_space<vmem>>
      %dma_start3A_265 = arith.constant 0 : i32
      %dma_start3A_266 = tpu.memref_slice %arg4[%add3A_259, %dma_start3A_265] : memref<819200x128xf32, #tpu.memory_space<hbm>> -> memref<64x128xf32, #tpu.memory_space<hbm>>
      %dma_start3A_267 = arith.constant 0 : i32
      %dma_start3A_268 = tpu.memref_slice %arg4[%add3A_259, %dma_start3A_267] : memref<819200x128xf32, #tpu.memory_space<hbm>> -> memref<64x128xf32, #tpu.memory_space<hbm>>
      %dma_start3A_269 = arith.constant 0 : i32
      %dma_start3A_270 = arith.constant 0 : i32
      %dma_start3A_271 = tpu.memref_slice %arg6[%dma_start3A_260, %dma_start3A_269, %dma_start3A_270] : memref<10x64x128xf32, #tpu.memory_space<vmem>> -> memref<1x64x128xf32, #tpu.memory_space<vmem>>
      %dma_start3A_272 = tpu.memref_squeeze %dma_start3A_271 : memref<1x64x128xf32, #tpu.memory_space<vmem>> -> memref<64x128xf32, #tpu.memory_space<vmem>>
      tpu.enqueue_dma source(%dma_start3A_272 : memref<64x128xf32, #tpu.memory_space<vmem>>) target(%dma_start3A_268 : memref<64x128xf32, #tpu.memory_space<hbm>>) target_semaphore(%arg18 : memref<!tpu.dma_semaphore, #tpu.memory_space<semaphore_mem>>)
      %dma_wait3A_273 = arith.constant 1 : i32
      %dma_wait3A_274 = arith.constant 0 : i32
      %dma_wait3A_275 = arith.constant 0 : i32
      %dma_wait3A_276 = tpu.memref_slice %arg6[%dma_wait3A_273, %dma_wait3A_274, %dma_wait3A_275] : memref<10x64x128xf32, #tpu.memory_space<vmem>> -> memref<1x64x128xf32, #tpu.memory_space<vmem>>
      %dma_wait3A_277 = tpu.memref_squeeze %dma_wait3A_276 : memref<1x64x128xf32, #tpu.memory_space<vmem>> -> memref<64x128xf32, #tpu.memory_space<vmem>>
      %dma_wait3A_278 = arith.constant 0 : i32
      %dma_wait3A_279 = arith.constant 0 : i32
      %dma_wait3A_280 = tpu.memref_slice %arg3[%dma_wait3A_278, %dma_wait3A_279] : memref<1000x128xf32, #tpu.memory_space<hbm>> -> memref<64x128xf32, #tpu.memory_space<hbm>>
      %dma_wait3A_281 = arith.constant 0 : i32
      %dma_wait3A_282 = arith.constant 0 : i32
      %dma_wait3A_283 = tpu.memref_slice %arg6[%dma_wait3A_273, %dma_wait3A_281, %dma_wait3A_282] : memref<10x64x128xf32, #tpu.memory_space<vmem>> -> memref<1x64x128xf32, #tpu.memory_space<vmem>>
      %dma_wait3A_284 = tpu.memref_squeeze %dma_wait3A_283 : memref<1x64x128xf32, #tpu.memory_space<vmem>> -> memref<64x128xf32, #tpu.memory_space<vmem>>
      %dma_wait3A_285 = arith.constant 0 : i32
      %dma_wait3A_286 = arith.constant 0 : i32
      %dma_wait3A_287 = tpu.memref_slice %arg3[%dma_wait3A_285, %dma_wait3A_286] : memref<1000x128xf32, #tpu.memory_space<hbm>> -> memref<64x128xf32, #tpu.memory_space<hbm>>
      tpu.wait_dma2 semaphore(%arg9 : memref<!tpu.dma_semaphore, #tpu.memory_space<semaphore_mem>>) src(%dma_wait3A_287 : memref<64x128xf32, #tpu.memory_space<hbm>>) dst(%dma_wait3A_284 : memref<64x128xf32, #tpu.memory_space<vmem>>)
      %mul3A_288 = arith.constant 10 : i32
      %mul3A_289 = arith.muli %scan3A_237, %mul3A_288 : i32
      %add3A_290 = arith.constant 1 : i32
      %add3A_291 = arith.addi %mul3A_289, %add3A_290 : i32
      %mul3A_292 = arith.constant 64 : i32
      %mul3A_293 = arith.muli %add3A_291, %mul3A_292 : i32
      %add3A_294 = arith.addi %mul3A_2, %mul3A_293 : i32
      %dma_start3A_295 = arith.constant 1 : i32
      %dma_start3A_296 = arith.constant 0 : i32
      %dma_start3A_297 = arith.constant 0 : i32
      %dma_start3A_298 = tpu.memref_slice %arg6[%dma_start3A_295, %dma_start3A_296, %dma_start3A_297] : memref<10x64x128xf32, #tpu.memory_space<vmem>> -> memref<1x64x128xf32, #tpu.memory_space<vmem>>
      %dma_start3A_299 = tpu.memref_squeeze %dma_start3A_298 : memref<1x64x128xf32, #tpu.memory_space<vmem>> -> memref<64x128xf32, #tpu.memory_space<vmem>>
      %dma_start3A_300 = arith.constant 0 : i32
      %dma_start3A_301 = tpu.memref_slice %arg4[%add3A_294, %dma_start3A_300] : memref<819200x128xf32, #tpu.memory_space<hbm>> -> memref<64x128xf32, #tpu.memory_space<hbm>>
      %dma_start3A_302 = arith.constant 0 : i32
      %dma_start3A_303 = tpu.memref_slice %arg4[%add3A_294, %dma_start3A_302] : memref<819200x128xf32, #tpu.memory_space<hbm>> -> memref<64x128xf32, #tpu.memory_space<hbm>>
      %dma_start3A_304 = arith.constant 0 : i32
      %dma_start3A_305 = arith.constant 0 : i32
      %dma_start3A_306 = tpu.memref_slice %arg6[%dma_start3A_295, %dma_start3A_304, %dma_start3A_305] : memref<10x64x128xf32, #tpu.memory_space<vmem>> -> memref<1x64x128xf32, #tpu.memory_space<vmem>>
      %dma_start3A_307 = tpu.memref_squeeze %dma_start3A_306 : memref<1x64x128xf32, #tpu.memory_space<vmem>> -> memref<64x128xf32, #tpu.memory_space<vmem>>
      tpu.enqueue_dma source(%dma_start3A_307 : memref<64x128xf32, #tpu.memory_space<vmem>>) target(%dma_start3A_303 : memref<64x128xf32, #tpu.memory_space<hbm>>) target_semaphore(%arg19 : memref<!tpu.dma_semaphore, #tpu.memory_space<semaphore_mem>>)
      %dma_wait3A_308 = arith.constant 2 : i32
      %dma_wait3A_309 = arith.constant 0 : i32
      %dma_wait3A_310 = arith.constant 0 : i32
      %dma_wait3A_311 = tpu.memref_slice %arg6[%dma_wait3A_308, %dma_wait3A_309, %dma_wait3A_310] : memref<10x64x128xf32, #tpu.memory_space<vmem>> -> memref<1x64x128xf32, #tpu.memory_space<vmem>>
      %dma_wait3A_312 = tpu.memref_squeeze %dma_wait3A_311 : memref<1x64x128xf32, #tpu.memory_space<vmem>> -> memref<64x128xf32, #tpu.memory_space<vmem>>
      %dma_wait3A_313 = arith.constant 0 : i32
      %dma_wait3A_314 = arith.constant 0 : i32
      %dma_wait3A_315 = tpu.memref_slice %arg3[%dma_wait3A_313, %dma_wait3A_314] : memref<1000x128xf32, #tpu.memory_space<hbm>> -> memref<64x128xf32, #tpu.memory_space<hbm>>
      %dma_wait3A_316 = arith.constant 0 : i32
      %dma_wait3A_317 = arith.constant 0 : i32
      %dma_wait3A_318 = tpu.memref_slice %arg6[%dma_wait3A_308, %dma_wait3A_316, %dma_wait3A_317] : memref<10x64x128xf32, #tpu.memory_space<vmem>> -> memref<1x64x128xf32, #tpu.memory_space<vmem>>
      %dma_wait3A_319 = tpu.memref_squeeze %dma_wait3A_318 : memref<1x64x128xf32, #tpu.memory_space<vmem>> -> memref<64x128xf32, #tpu.memory_space<vmem>>
      %dma_wait3A_320 = arith.constant 0 : i32
      %dma_wait3A_321 = arith.constant 0 : i32
      %dma_wait3A_322 = tpu.memref_slice %arg3[%dma_wait3A_320, %dma_wait3A_321] : memref<1000x128xf32, #tpu.memory_space<hbm>> -> memref<64x128xf32, #tpu.memory_space<hbm>>
      tpu.wait_dma2 semaphore(%arg10 : memref<!tpu.dma_semaphore, #tpu.memory_space<semaphore_mem>>) src(%dma_wait3A_322 : memref<64x128xf32, #tpu.memory_space<hbm>>) dst(%dma_wait3A_319 : memref<64x128xf32, #tpu.memory_space<vmem>>)
      %mul3A_323 = arith.constant 10 : i32
      %mul3A_324 = arith.muli %scan3A_237, %mul3A_323 : i32
      %add3A_325 = arith.constant 2 : i32
      %add3A_326 = arith.addi %mul3A_324, %add3A_325 : i32
      %mul3A_327 = arith.constant 64 : i32
      %mul3A_328 = arith.muli %add3A_326, %mul3A_327 : i32
      %add3A_329 = arith.addi %mul3A_2, %mul3A_328 : i32
      %dma_start3A_330 = arith.constant 2 : i32
      %dma_start3A_331 = arith.constant 0 : i32
      %dma_start3A_332 = arith.constant 0 : i32
      %dma_start3A_333 = tpu.memref_slice %arg6[%dma_start3A_330, %dma_start3A_331, %dma_start3A_332] : memref<10x64x128xf32, #tpu.memory_space<vmem>> -> memref<1x64x128xf32, #tpu.memory_space<vmem>>
      %dma_start3A_334 = tpu.memref_squeeze %dma_start3A_333 : memref<1x64x128xf32, #tpu.memory_space<vmem>> -> memref<64x128xf32, #tpu.memory_space<vmem>>
      %dma_start3A_335 = arith.constant 0 : i32
      %dma_start3A_336 = tpu.memref_slice %arg4[%add3A_329, %dma_start3A_335] : memref<819200x128xf32, #tpu.memory_space<hbm>> -> memref<64x128xf32, #tpu.memory_space<hbm>>
      %dma_start3A_337 = arith.constant 0 : i32
      %dma_start3A_338 = tpu.memref_slice %arg4[%add3A_329, %dma_start3A_337] : memref<819200x128xf32, #tpu.memory_space<hbm>> -> memref<64x128xf32, #tpu.memory_space<hbm>>
      %dma_start3A_339 = arith.constant 0 : i32
      %dma_start3A_340 = arith.constant 0 : i32
      %dma_start3A_341 = tpu.memref_slice %arg6[%dma_start3A_330, %dma_start3A_339, %dma_start3A_340] : memref<10x64x128xf32, #tpu.memory_space<vmem>> -> memref<1x64x128xf32, #tpu.memory_space<vmem>>
      %dma_start3A_342 = tpu.memref_squeeze %dma_start3A_341 : memref<1x64x128xf32, #tpu.memory_space<vmem>> -> memref<64x128xf32, #tpu.memory_space<vmem>>
      tpu.enqueue_dma source(%dma_start3A_342 : memref<64x128xf32, #tpu.memory_space<vmem>>) target(%dma_start3A_338 : memref<64x128xf32, #tpu.memory_space<hbm>>) target_semaphore(%arg20 : memref<!tpu.dma_semaphore, #tpu.memory_space<semaphore_mem>>)
      %dma_wait3A_343 = arith.constant 3 : i32
      %dma_wait3A_344 = arith.constant 0 : i32
      %dma_wait3A_345 = arith.constant 0 : i32
      %dma_wait3A_346 = tpu.memref_slice %arg6[%dma_wait3A_343, %dma_wait3A_344, %dma_wait3A_345] : memref<10x64x128xf32, #tpu.memory_space<vmem>> -> memref<1x64x128xf32, #tpu.memory_space<vmem>>
      %dma_wait3A_347 = tpu.memref_squeeze %dma_wait3A_346 : memref<1x64x128xf32, #tpu.memory_space<vmem>> -> memref<64x128xf32, #tpu.memory_space<vmem>>
      %dma_wait3A_348 = arith.constant 0 : i32
      %dma_wait3A_349 = arith.constant 0 : i32
      %dma_wait3A_350 = tpu.memref_slice %arg3[%dma_wait3A_348, %dma_wait3A_349] : memref<1000x128xf32, #tpu.memory_space<hbm>> -> memref<64x128xf32, #tpu.memory_space<hbm>>
      %dma_wait3A_351 = arith.constant 0 : i32
      %dma_wait3A_352 = arith.constant 0 : i32
      %dma_wait3A_353 = tpu.memref_slice %arg6[%dma_wait3A_343, %dma_wait3A_351, %dma_wait3A_352] : memref<10x64x128xf32, #tpu.memory_space<vmem>> -> memref<1x64x128xf32, #tpu.memory_space<vmem>>
      %dma_wait3A_354 = tpu.memref_squeeze %dma_wait3A_353 : memref<1x64x128xf32, #tpu.memory_space<vmem>> -> memref<64x128xf32, #tpu.memory_space<vmem>>
      %dma_wait3A_355 = arith.constant 0 : i32
      %dma_wait3A_356 = arith.constant 0 : i32
      %dma_wait3A_357 = tpu.memref_slice %arg3[%dma_wait3A_355, %dma_wait3A_356] : memref<1000x128xf32, #tpu.memory_space<hbm>> -> memref<64x128xf32, #tpu.memory_space<hbm>>
      tpu.wait_dma2 semaphore(%arg11 : memref<!tpu.dma_semaphore, #tpu.memory_space<semaphore_mem>>) src(%dma_wait3A_357 : memref<64x128xf32, #tpu.memory_space<hbm>>) dst(%dma_wait3A_354 : memref<64x128xf32, #tpu.memory_space<vmem>>)
      %mul3A_358 = arith.constant 10 : i32
      %mul3A_359 = arith.muli %scan3A_237, %mul3A_358 : i32
      %add3A_360 = arith.constant 3 : i32
      %add3A_361 = arith.addi %mul3A_359, %add3A_360 : i32
      %mul3A_362 = arith.constant 64 : i32
      %mul3A_363 = arith.muli %add3A_361, %mul3A_362 : i32
      %add3A_364 = arith.addi %mul3A_2, %mul3A_363 : i32
      %dma_start3A_365 = arith.constant 3 : i32
      %dma_start3A_366 = arith.constant 0 : i32
      %dma_start3A_367 = arith.constant 0 : i32
      %dma_start3A_368 = tpu.memref_slice %arg6[%dma_start3A_365, %dma_start3A_366, %dma_start3A_367] : memref<10x64x128xf32, #tpu.memory_space<vmem>> -> memref<1x64x128xf32, #tpu.memory_space<vmem>>
      %dma_start3A_369 = tpu.memref_squeeze %dma_start3A_368 : memref<1x64x128xf32, #tpu.memory_space<vmem>> -> memref<64x128xf32, #tpu.memory_space<vmem>>
      %dma_start3A_370 = arith.constant 0 : i32
      %dma_start3A_371 = tpu.memref_slice %arg4[%add3A_364, %dma_start3A_370] : memref<819200x128xf32, #tpu.memory_space<hbm>> -> memref<64x128xf32, #tpu.memory_space<hbm>>
      %dma_start3A_372 = arith.constant 0 : i32
      %dma_start3A_373 = tpu.memref_slice %arg4[%add3A_364, %dma_start3A_372] : memref<819200x128xf32, #tpu.memory_space<hbm>> -> memref<64x128xf32, #tpu.memory_space<hbm>>
      %dma_start3A_374 = arith.constant 0 : i32
      %dma_start3A_375 = arith.constant 0 : i32
      %dma_start3A_376 = tpu.memref_slice %arg6[%dma_start3A_365, %dma_start3A_374, %dma_start3A_375] : memref<10x64x128xf32, #tpu.memory_space<vmem>> -> memref<1x64x128xf32, #tpu.memory_space<vmem>>
      %dma_start3A_377 = tpu.memref_squeeze %dma_start3A_376 : memref<1x64x128xf32, #tpu.memory_space<vmem>> -> memref<64x128xf32, #tpu.memory_space<vmem>>
      tpu.enqueue_dma source(%dma_start3A_377 : memref<64x128xf32, #tpu.memory_space<vmem>>) target(%dma_start3A_373 : memref<64x128xf32, #tpu.memory_space<hbm>>) target_semaphore(%arg21 : memref<!tpu.dma_semaphore, #tpu.memory_space<semaphore_mem>>)
      %dma_wait3A_378 = arith.constant 4 : i32
      %dma_wait3A_379 = arith.constant 0 : i32
      %dma_wait3A_380 = arith.constant 0 : i32
      %dma_wait3A_381 = tpu.memref_slice %arg6[%dma_wait3A_378, %dma_wait3A_379, %dma_wait3A_380] : memref<10x64x128xf32, #tpu.memory_space<vmem>> -> memref<1x64x128xf32, #tpu.memory_space<vmem>>
      %dma_wait3A_382 = tpu.memref_squeeze %dma_wait3A_381 : memref<1x64x128xf32, #tpu.memory_space<vmem>> -> memref<64x128xf32, #tpu.memory_space<vmem>>
      %dma_wait3A_383 = arith.constant 0 : i32
      %dma_wait3A_384 = arith.constant 0 : i32
      %dma_wait3A_385 = tpu.memref_slice %arg3[%dma_wait3A_383, %dma_wait3A_384] : memref<1000x128xf32, #tpu.memory_space<hbm>> -> memref<64x128xf32, #tpu.memory_space<hbm>>
      %dma_wait3A_386 = arith.constant 0 : i32
      %dma_wait3A_387 = arith.constant 0 : i32
      %dma_wait3A_388 = tpu.memref_slice %arg6[%dma_wait3A_378, %dma_wait3A_386, %dma_wait3A_387] : memref<10x64x128xf32, #tpu.memory_space<vmem>> -> memref<1x64x128xf32, #tpu.memory_space<vmem>>
      %dma_wait3A_389 = tpu.memref_squeeze %dma_wait3A_388 : memref<1x64x128xf32, #tpu.memory_space<vmem>> -> memref<64x128xf32, #tpu.memory_space<vmem>>
      %dma_wait3A_390 = arith.constant 0 : i32
      %dma_wait3A_391 = arith.constant 0 : i32
      %dma_wait3A_392 = tpu.memref_slice %arg3[%dma_wait3A_390, %dma_wait3A_391] : memref<1000x128xf32, #tpu.memory_space<hbm>> -> memref<64x128xf32, #tpu.memory_space<hbm>>
      tpu.wait_dma2 semaphore(%arg12 : memref<!tpu.dma_semaphore, #tpu.memory_space<semaphore_mem>>) src(%dma_wait3A_392 : memref<64x128xf32, #tpu.memory_space<hbm>>) dst(%dma_wait3A_389 : memref<64x128xf32, #tpu.memory_space<vmem>>)
      %mul3A_393 = arith.constant 10 : i32
      %mul3A_394 = arith.muli %scan3A_237, %mul3A_393 : i32
      %add3A_395 = arith.constant 4 : i32
      %add3A_396 = arith.addi %mul3A_394, %add3A_395 : i32
      %mul3A_397 = arith.constant 64 : i32
      %mul3A_398 = arith.muli %add3A_396, %mul3A_397 : i32
      %add3A_399 = arith.addi %mul3A_2, %mul3A_398 : i32
      %dma_start3A_400 = arith.constant 4 : i32
      %dma_start3A_401 = arith.constant 0 : i32
      %dma_start3A_402 = arith.constant 0 : i32
      %dma_start3A_403 = tpu.memref_slice %arg6[%dma_start3A_400, %dma_start3A_401, %dma_start3A_402] : memref<10x64x128xf32, #tpu.memory_space<vmem>> -> memref<1x64x128xf32, #tpu.memory_space<vmem>>
      %dma_start3A_404 = tpu.memref_squeeze %dma_start3A_403 : memref<1x64x128xf32, #tpu.memory_space<vmem>> -> memref<64x128xf32, #tpu.memory_space<vmem>>
      %dma_start3A_405 = arith.constant 0 : i32
      %dma_start3A_406 = tpu.memref_slice %arg4[%add3A_399, %dma_start3A_405] : memref<819200x128xf32, #tpu.memory_space<hbm>> -> memref<64x128xf32, #tpu.memory_space<hbm>>
      %dma_start3A_407 = arith.constant 0 : i32
      %dma_start3A_408 = tpu.memref_slice %arg4[%add3A_399, %dma_start3A_407] : memref<819200x128xf32, #tpu.memory_space<hbm>> -> memref<64x128xf32, #tpu.memory_space<hbm>>
      %dma_start3A_409 = arith.constant 0 : i32
      %dma_start3A_410 = arith.constant 0 : i32
      %dma_start3A_411 = tpu.memref_slice %arg6[%dma_start3A_400, %dma_start3A_409, %dma_start3A_410] : memref<10x64x128xf32, #tpu.memory_space<vmem>> -> memref<1x64x128xf32, #tpu.memory_space<vmem>>
      %dma_start3A_412 = tpu.memref_squeeze %dma_start3A_411 : memref<1x64x128xf32, #tpu.memory_space<vmem>> -> memref<64x128xf32, #tpu.memory_space<vmem>>
      tpu.enqueue_dma source(%dma_start3A_412 : memref<64x128xf32, #tpu.memory_space<vmem>>) target(%dma_start3A_408 : memref<64x128xf32, #tpu.memory_space<hbm>>) target_semaphore(%arg22 : memref<!tpu.dma_semaphore, #tpu.memory_space<semaphore_mem>>)
      %dma_wait3A_413 = arith.constant 5 : i32
      %dma_wait3A_414 = arith.constant 0 : i32
      %dma_wait3A_415 = arith.constant 0 : i32
      %dma_wait3A_416 = tpu.memref_slice %arg6[%dma_wait3A_413, %dma_wait3A_414, %dma_wait3A_415] : memref<10x64x128xf32, #tpu.memory_space<vmem>> -> memref<1x64x128xf32, #tpu.memory_space<vmem>>
      %dma_wait3A_417 = tpu.memref_squeeze %dma_wait3A_416 : memref<1x64x128xf32, #tpu.memory_space<vmem>> -> memref<64x128xf32, #tpu.memory_space<vmem>>
      %dma_wait3A_418 = arith.constant 0 : i32
      %dma_wait3A_419 = arith.constant 0 : i32
      %dma_wait3A_420 = tpu.memref_slice %arg3[%dma_wait3A_418, %dma_wait3A_419] : memref<1000x128xf32, #tpu.memory_space<hbm>> -> memref<64x128xf32, #tpu.memory_space<hbm>>
      %dma_wait3A_421 = arith.constant 0 : i32
      %dma_wait3A_422 = arith.constant 0 : i32
      %dma_wait3A_423 = tpu.memref_slice %arg6[%dma_wait3A_413, %dma_wait3A_421, %dma_wait3A_422] : memref<10x64x128xf32, #tpu.memory_space<vmem>> -> memref<1x64x128xf32, #tpu.memory_space<vmem>>
      %dma_wait3A_424 = tpu.memref_squeeze %dma_wait3A_423 : memref<1x64x128xf32, #tpu.memory_space<vmem>> -> memref<64x128xf32, #tpu.memory_space<vmem>>
      %dma_wait3A_425 = arith.constant 0 : i32
      %dma_wait3A_426 = arith.constant 0 : i32
      %dma_wait3A_427 = tpu.memref_slice %arg3[%dma_wait3A_425, %dma_wait3A_426] : memref<1000x128xf32, #tpu.memory_space<hbm>> -> memref<64x128xf32, #tpu.memory_space<hbm>>
      tpu.wait_dma2 semaphore(%arg13 : memref<!tpu.dma_semaphore, #tpu.memory_space<semaphore_mem>>) src(%dma_wait3A_427 : memref<64x128xf32, #tpu.memory_space<hbm>>) dst(%dma_wait3A_424 : memref<64x128xf32, #tpu.memory_space<vmem>>)
      %mul3A_428 = arith.constant 10 : i32
      %mul3A_429 = arith.muli %scan3A_237, %mul3A_428 : i32
      %add3A_430 = arith.constant 5 : i32
      %add3A_431 = arith.addi %mul3A_429, %add3A_430 : i32
      %mul3A_432 = arith.constant 64 : i32
      %mul3A_433 = arith.muli %add3A_431, %mul3A_432 : i32
      %add3A_434 = arith.addi %mul3A_2, %mul3A_433 : i32
      %dma_start3A_435 = arith.constant 5 : i32
      %dma_start3A_436 = arith.constant 0 : i32
      %dma_start3A_437 = arith.constant 0 : i32
      %dma_start3A_438 = tpu.memref_slice %arg6[%dma_start3A_435, %dma_start3A_436, %dma_start3A_437] : memref<10x64x128xf32, #tpu.memory_space<vmem>> -> memref<1x64x128xf32, #tpu.memory_space<vmem>>
      %dma_start3A_439 = tpu.memref_squeeze %dma_start3A_438 : memref<1x64x128xf32, #tpu.memory_space<vmem>> -> memref<64x128xf32, #tpu.memory_space<vmem>>
      %dma_start3A_440 = arith.constant 0 : i32
      %dma_start3A_441 = tpu.memref_slice %arg4[%add3A_434, %dma_start3A_440] : memref<819200x128xf32, #tpu.memory_space<hbm>> -> memref<64x128xf32, #tpu.memory_space<hbm>>
      %dma_start3A_442 = arith.constant 0 : i32
      %dma_start3A_443 = tpu.memref_slice %arg4[%add3A_434, %dma_start3A_442] : memref<819200x128xf32, #tpu.memory_space<hbm>> -> memref<64x128xf32, #tpu.memory_space<hbm>>
      %dma_start3A_444 = arith.constant 0 : i32
      %dma_start3A_445 = arith.constant 0 : i32
      %dma_start3A_446 = tpu.memref_slice %arg6[%dma_start3A_435, %dma_start3A_444, %dma_start3A_445] : memref<10x64x128xf32, #tpu.memory_space<vmem>> -> memref<1x64x128xf32, #tpu.memory_space<vmem>>
      %dma_start3A_447 = tpu.memref_squeeze %dma_start3A_446 : memref<1x64x128xf32, #tpu.memory_space<vmem>> -> memref<64x128xf32, #tpu.memory_space<vmem>>
      tpu.enqueue_dma source(%dma_start3A_447 : memref<64x128xf32, #tpu.memory_space<vmem>>) target(%dma_start3A_443 : memref<64x128xf32, #tpu.memory_space<hbm>>) target_semaphore(%arg23 : memref<!tpu.dma_semaphore, #tpu.memory_space<semaphore_mem>>)
      %dma_wait3A_448 = arith.constant 6 : i32
      %dma_wait3A_449 = arith.constant 0 : i32
      %dma_wait3A_450 = arith.constant 0 : i32
      %dma_wait3A_451 = tpu.memref_slice %arg6[%dma_wait3A_448, %dma_wait3A_449, %dma_wait3A_450] : memref<10x64x128xf32, #tpu.memory_space<vmem>> -> memref<1x64x128xf32, #tpu.memory_space<vmem>>
      %dma_wait3A_452 = tpu.memref_squeeze %dma_wait3A_451 : memref<1x64x128xf32, #tpu.memory_space<vmem>> -> memref<64x128xf32, #tpu.memory_space<vmem>>
      %dma_wait3A_453 = arith.constant 0 : i32
      %dma_wait3A_454 = arith.constant 0 : i32
      %dma_wait3A_455 = tpu.memref_slice %arg3[%dma_wait3A_453, %dma_wait3A_454] : memref<1000x128xf32, #tpu.memory_space<hbm>> -> memref<64x128xf32, #tpu.memory_space<hbm>>
      %dma_wait3A_456 = arith.constant 0 : i32
      %dma_wait3A_457 = arith.constant 0 : i32
      %dma_wait3A_458 = tpu.memref_slice %arg6[%dma_wait3A_448, %dma_wait3A_456, %dma_wait3A_457] : memref<10x64x128xf32, #tpu.memory_space<vmem>> -> memref<1x64x128xf32, #tpu.memory_space<vmem>>
      %dma_wait3A_459 = tpu.memref_squeeze %dma_wait3A_458 : memref<1x64x128xf32, #tpu.memory_space<vmem>> -> memref<64x128xf32, #tpu.memory_space<vmem>>
      %dma_wait3A_460 = arith.constant 0 : i32
      %dma_wait3A_461 = arith.constant 0 : i32
      %dma_wait3A_462 = tpu.memref_slice %arg3[%dma_wait3A_460, %dma_wait3A_461] : memref<1000x128xf32, #tpu.memory_space<hbm>> -> memref<64x128xf32, #tpu.memory_space<hbm>>
      tpu.wait_dma2 semaphore(%arg14 : memref<!tpu.dma_semaphore, #tpu.memory_space<semaphore_mem>>) src(%dma_wait3A_462 : memref<64x128xf32, #tpu.memory_space<hbm>>) dst(%dma_wait3A_459 : memref<64x128xf32, #tpu.memory_space<vmem>>)
      %mul3A_463 = arith.constant 10 : i32
      %mul3A_464 = arith.muli %scan3A_237, %mul3A_463 : i32
      %add3A_465 = arith.constant 6 : i32
      %add3A_466 = arith.addi %mul3A_464, %add3A_465 : i32
      %mul3A_467 = arith.constant 64 : i32
      %mul3A_468 = arith.muli %add3A_466, %mul3A_467 : i32
      %add3A_469 = arith.addi %mul3A_2, %mul3A_468 : i32
      %dma_start3A_470 = arith.constant 6 : i32
      %dma_start3A_471 = arith.constant 0 : i32
      %dma_start3A_472 = arith.constant 0 : i32
      %dma_start3A_473 = tpu.memref_slice %arg6[%dma_start3A_470, %dma_start3A_471, %dma_start3A_472] : memref<10x64x128xf32, #tpu.memory_space<vmem>> -> memref<1x64x128xf32, #tpu.memory_space<vmem>>
      %dma_start3A_474 = tpu.memref_squeeze %dma_start3A_473 : memref<1x64x128xf32, #tpu.memory_space<vmem>> -> memref<64x128xf32, #tpu.memory_space<vmem>>
      %dma_start3A_475 = arith.constant 0 : i32
      %dma_start3A_476 = tpu.memref_slice %arg4[%add3A_469, %dma_start3A_475] : memref<819200x128xf32, #tpu.memory_space<hbm>> -> memref<64x128xf32, #tpu.memory_space<hbm>>
      %dma_start3A_477 = arith.constant 0 : i32
      %dma_start3A_478 = tpu.memref_slice %arg4[%add3A_469, %dma_start3A_477] : memref<819200x128xf32, #tpu.memory_space<hbm>> -> memref<64x128xf32, #tpu.memory_space<hbm>>
      %dma_start3A_479 = arith.constant 0 : i32
      %dma_start3A_480 = arith.constant 0 : i32
      %dma_start3A_481 = tpu.memref_slice %arg6[%dma_start3A_470, %dma_start3A_479, %dma_start3A_480] : memref<10x64x128xf32, #tpu.memory_space<vmem>> -> memref<1x64x128xf32, #tpu.memory_space<vmem>>
      %dma_start3A_482 = tpu.memref_squeeze %dma_start3A_481 : memref<1x64x128xf32, #tpu.memory_space<vmem>> -> memref<64x128xf32, #tpu.memory_space<vmem>>
      tpu.enqueue_dma source(%dma_start3A_482 : memref<64x128xf32, #tpu.memory_space<vmem>>) target(%dma_start3A_478 : memref<64x128xf32, #tpu.memory_space<hbm>>) target_semaphore(%arg24 : memref<!tpu.dma_semaphore, #tpu.memory_space<semaphore_mem>>)
      %dma_wait3A_483 = arith.constant 7 : i32
      %dma_wait3A_484 = arith.constant 0 : i32
      %dma_wait3A_485 = arith.constant 0 : i32
      %dma_wait3A_486 = tpu.memref_slice %arg6[%dma_wait3A_483, %dma_wait3A_484, %dma_wait3A_485] : memref<10x64x128xf32, #tpu.memory_space<vmem>> -> memref<1x64x128xf32, #tpu.memory_space<vmem>>
      %dma_wait3A_487 = tpu.memref_squeeze %dma_wait3A_486 : memref<1x64x128xf32, #tpu.memory_space<vmem>> -> memref<64x128xf32, #tpu.memory_space<vmem>>
      %dma_wait3A_488 = arith.constant 0 : i32
      %dma_wait3A_489 = arith.constant 0 : i32
      %dma_wait3A_490 = tpu.memref_slice %arg3[%dma_wait3A_488, %dma_wait3A_489] : memref<1000x128xf32, #tpu.memory_space<hbm>> -> memref<64x128xf32, #tpu.memory_space<hbm>>
      %dma_wait3A_491 = arith.constant 0 : i32
      %dma_wait3A_492 = arith.constant 0 : i32
      %dma_wait3A_493 = tpu.memref_slice %arg6[%dma_wait3A_483, %dma_wait3A_491, %dma_wait3A_492] : memref<10x64x128xf32, #tpu.memory_space<vmem>> -> memref<1x64x128xf32, #tpu.memory_space<vmem>>
      %dma_wait3A_494 = tpu.memref_squeeze %dma_wait3A_493 : memref<1x64x128xf32, #tpu.memory_space<vmem>> -> memref<64x128xf32, #tpu.memory_space<vmem>>
      %dma_wait3A_495 = arith.constant 0 : i32
      %dma_wait3A_496 = arith.constant 0 : i32
      %dma_wait3A_497 = tpu.memref_slice %arg3[%dma_wait3A_495, %dma_wait3A_496] : memref<1000x128xf32, #tpu.memory_space<hbm>> -> memref<64x128xf32, #tpu.memory_space<hbm>>
      tpu.wait_dma2 semaphore(%arg15 : memref<!tpu.dma_semaphore, #tpu.memory_space<semaphore_mem>>) src(%dma_wait3A_497 : memref<64x128xf32, #tpu.memory_space<hbm>>) dst(%dma_wait3A_494 : memref<64x128xf32, #tpu.memory_space<vmem>>)
      %mul3A_498 = arith.constant 10 : i32
      %mul3A_499 = arith.muli %scan3A_237, %mul3A_498 : i32
      %add3A_500 = arith.constant 7 : i32
      %add3A_501 = arith.addi %mul3A_499, %add3A_500 : i32
      %mul3A_502 = arith.constant 64 : i32
      %mul3A_503 = arith.muli %add3A_501, %mul3A_502 : i32
      %add3A_504 = arith.addi %mul3A_2, %mul3A_503 : i32
      %dma_start3A_505 = arith.constant 7 : i32
      %dma_start3A_506 = arith.constant 0 : i32
      %dma_start3A_507 = arith.constant 0 : i32
      %dma_start3A_508 = tpu.memref_slice %arg6[%dma_start3A_505, %dma_start3A_506, %dma_start3A_507] : memref<10x64x128xf32, #tpu.memory_space<vmem>> -> memref<1x64x128xf32, #tpu.memory_space<vmem>>
      %dma_start3A_509 = tpu.memref_squeeze %dma_start3A_508 : memref<1x64x128xf32, #tpu.memory_space<vmem>> -> memref<64x128xf32, #tpu.memory_space<vmem>>
      %dma_start3A_510 = arith.constant 0 : i32
      %dma_start3A_511 = tpu.memref_slice %arg4[%add3A_504, %dma_start3A_510] : memref<819200x128xf32, #tpu.memory_space<hbm>> -> memref<64x128xf32, #tpu.memory_space<hbm>>
      %dma_start3A_512 = arith.constant 0 : i32
      %dma_start3A_513 = tpu.memref_slice %arg4[%add3A_504, %dma_start3A_512] : memref<819200x128xf32, #tpu.memory_space<hbm>> -> memref<64x128xf32, #tpu.memory_space<hbm>>
      %dma_start3A_514 = arith.constant 0 : i32
      %dma_start3A_515 = arith.constant 0 : i32
      %dma_start3A_516 = tpu.memref_slice %arg6[%dma_start3A_505, %dma_start3A_514, %dma_start3A_515] : memref<10x64x128xf32, #tpu.memory_space<vmem>> -> memref<1x64x128xf32, #tpu.memory_space<vmem>>
      %dma_start3A_517 = tpu.memref_squeeze %dma_start3A_516 : memref<1x64x128xf32, #tpu.memory_space<vmem>> -> memref<64x128xf32, #tpu.memory_space<vmem>>
      tpu.enqueue_dma source(%dma_start3A_517 : memref<64x128xf32, #tpu.memory_space<vmem>>) target(%dma_start3A_513 : memref<64x128xf32, #tpu.memory_space<hbm>>) target_semaphore(%arg25 : memref<!tpu.dma_semaphore, #tpu.memory_space<semaphore_mem>>)
      %dma_wait3A_518 = arith.constant 8 : i32
      %dma_wait3A_519 = arith.constant 0 : i32
      %dma_wait3A_520 = arith.constant 0 : i32
      %dma_wait3A_521 = tpu.memref_slice %arg6[%dma_wait3A_518, %dma_wait3A_519, %dma_wait3A_520] : memref<10x64x128xf32, #tpu.memory_space<vmem>> -> memref<1x64x128xf32, #tpu.memory_space<vmem>>
      %dma_wait3A_522 = tpu.memref_squeeze %dma_wait3A_521 : memref<1x64x128xf32, #tpu.memory_space<vmem>> -> memref<64x128xf32, #tpu.memory_space<vmem>>
      %dma_wait3A_523 = arith.constant 0 : i32
      %dma_wait3A_524 = arith.constant 0 : i32
      %dma_wait3A_525 = tpu.memref_slice %arg3[%dma_wait3A_523, %dma_wait3A_524] : memref<1000x128xf32, #tpu.memory_space<hbm>> -> memref<64x128xf32, #tpu.memory_space<hbm>>
      %dma_wait3A_526 = arith.constant 0 : i32
      %dma_wait3A_527 = arith.constant 0 : i32
      %dma_wait3A_528 = tpu.memref_slice %arg6[%dma_wait3A_518, %dma_wait3A_526, %dma_wait3A_527] : memref<10x64x128xf32, #tpu.memory_space<vmem>> -> memref<1x64x128xf32, #tpu.memory_space<vmem>>
      %dma_wait3A_529 = tpu.memref_squeeze %dma_wait3A_528 : memref<1x64x128xf32, #tpu.memory_space<vmem>> -> memref<64x128xf32, #tpu.memory_space<vmem>>
      %dma_wait3A_530 = arith.constant 0 : i32
      %dma_wait3A_531 = arith.constant 0 : i32
      %dma_wait3A_532 = tpu.memref_slice %arg3[%dma_wait3A_530, %dma_wait3A_531] : memref<1000x128xf32, #tpu.memory_space<hbm>> -> memref<64x128xf32, #tpu.memory_space<hbm>>
      tpu.wait_dma2 semaphore(%arg16 : memref<!tpu.dma_semaphore, #tpu.memory_space<semaphore_mem>>) src(%dma_wait3A_532 : memref<64x128xf32, #tpu.memory_space<hbm>>) dst(%dma_wait3A_529 : memref<64x128xf32, #tpu.memory_space<vmem>>)
      %mul3A_533 = arith.constant 10 : i32
      %mul3A_534 = arith.muli %scan3A_237, %mul3A_533 : i32
      %add3A_535 = arith.constant 8 : i32
      %add3A_536 = arith.addi %mul3A_534, %add3A_535 : i32
      %mul3A_537 = arith.constant 64 : i32
      %mul3A_538 = arith.muli %add3A_536, %mul3A_537 : i32
      %add3A_539 = arith.addi %mul3A_2, %mul3A_538 : i32
      %dma_start3A_540 = arith.constant 8 : i32
      %dma_start3A_541 = arith.constant 0 : i32
      %dma_start3A_542 = arith.constant 0 : i32
      %dma_start3A_543 = tpu.memref_slice %arg6[%dma_start3A_540, %dma_start3A_541, %dma_start3A_542] : memref<10x64x128xf32, #tpu.memory_space<vmem>> -> memref<1x64x128xf32, #tpu.memory_space<vmem>>
      %dma_start3A_544 = tpu.memref_squeeze %dma_start3A_543 : memref<1x64x128xf32, #tpu.memory_space<vmem>> -> memref<64x128xf32, #tpu.memory_space<vmem>>
      %dma_start3A_545 = arith.constant 0 : i32
      %dma_start3A_546 = tpu.memref_slice %arg4[%add3A_539, %dma_start3A_545] : memref<819200x128xf32, #tpu.memory_space<hbm>> -> memref<64x128xf32, #tpu.memory_space<hbm>>
      %dma_start3A_547 = arith.constant 0 : i32
      %dma_start3A_548 = tpu.memref_slice %arg4[%add3A_539, %dma_start3A_547] : memref<819200x128xf32, #tpu.memory_space<hbm>> -> memref<64x128xf32, #tpu.memory_space<hbm>>
      %dma_start3A_549 = arith.constant 0 : i32
      %dma_start3A_550 = arith.constant 0 : i32
      %dma_start3A_551 = tpu.memref_slice %arg6[%dma_start3A_540, %dma_start3A_549, %dma_start3A_550] : memref<10x64x128xf32, #tpu.memory_space<vmem>> -> memref<1x64x128xf32, #tpu.memory_space<vmem>>
      %dma_start3A_552 = tpu.memref_squeeze %dma_start3A_551 : memref<1x64x128xf32, #tpu.memory_space<vmem>> -> memref<64x128xf32, #tpu.memory_space<vmem>>
      tpu.enqueue_dma source(%dma_start3A_552 : memref<64x128xf32, #tpu.memory_space<vmem>>) target(%dma_start3A_548 : memref<64x128xf32, #tpu.memory_space<hbm>>) target_semaphore(%arg26 : memref<!tpu.dma_semaphore, #tpu.memory_space<semaphore_mem>>)
      %dma_wait3A_553 = arith.constant 9 : i32
      %dma_wait3A_554 = arith.constant 0 : i32
      %dma_wait3A_555 = arith.constant 0 : i32
      %dma_wait3A_556 = tpu.memref_slice %arg6[%dma_wait3A_553, %dma_wait3A_554, %dma_wait3A_555] : memref<10x64x128xf32, #tpu.memory_space<vmem>> -> memref<1x64x128xf32, #tpu.memory_space<vmem>>
      %dma_wait3A_557 = tpu.memref_squeeze %dma_wait3A_556 : memref<1x64x128xf32, #tpu.memory_space<vmem>> -> memref<64x128xf32, #tpu.memory_space<vmem>>
      %dma_wait3A_558 = arith.constant 0 : i32
      %dma_wait3A_559 = arith.constant 0 : i32
      %dma_wait3A_560 = tpu.memref_slice %arg3[%dma_wait3A_558, %dma_wait3A_559] : memref<1000x128xf32, #tpu.memory_space<hbm>> -> memref<64x128xf32, #tpu.memory_space<hbm>>
      %dma_wait3A_561 = arith.constant 0 : i32
      %dma_wait3A_562 = arith.constant 0 : i32
      %dma_wait3A_563 = tpu.memref_slice %arg6[%dma_wait3A_553, %dma_wait3A_561, %dma_wait3A_562] : memref<10x64x128xf32, #tpu.memory_space<vmem>> -> memref<1x64x128xf32, #tpu.memory_space<vmem>>
      %dma_wait3A_564 = tpu.memref_squeeze %dma_wait3A_563 : memref<1x64x128xf32, #tpu.memory_space<vmem>> -> memref<64x128xf32, #tpu.memory_space<vmem>>
      %dma_wait3A_565 = arith.constant 0 : i32
      %dma_wait3A_566 = arith.constant 0 : i32
      %dma_wait3A_567 = tpu.memref_slice %arg3[%dma_wait3A_565, %dma_wait3A_566] : memref<1000x128xf32, #tpu.memory_space<hbm>> -> memref<64x128xf32, #tpu.memory_space<hbm>>
      tpu.wait_dma2 semaphore(%arg17 : memref<!tpu.dma_semaphore, #tpu.memory_space<semaphore_mem>>) src(%dma_wait3A_567 : memref<64x128xf32, #tpu.memory_space<hbm>>) dst(%dma_wait3A_564 : memref<64x128xf32, #tpu.memory_space<vmem>>)
      %mul3A_568 = arith.constant 10 : i32
      %mul3A_569 = arith.muli %scan3A_237, %mul3A_568 : i32
      %add3A_570 = arith.constant 9 : i32
      %add3A_571 = arith.addi %mul3A_569, %add3A_570 : i32
      %mul3A_572 = arith.constant 64 : i32
      %mul3A_573 = arith.muli %add3A_571, %mul3A_572 : i32
      %add3A_574 = arith.addi %mul3A_2, %mul3A_573 : i32
      %dma_start3A_575 = arith.constant 9 : i32
      %dma_start3A_576 = arith.constant 0 : i32
      %dma_start3A_577 = arith.constant 0 : i32
      %dma_start3A_578 = tpu.memref_slice %arg6[%dma_start3A_575, %dma_start3A_576, %dma_start3A_577] : memref<10x64x128xf32, #tpu.memory_space<vmem>> -> memref<1x64x128xf32, #tpu.memory_space<vmem>>
      %dma_start3A_579 = tpu.memref_squeeze %dma_start3A_578 : memref<1x64x128xf32, #tpu.memory_space<vmem>> -> memref<64x128xf32, #tpu.memory_space<vmem>>
      %dma_start3A_580 = arith.constant 0 : i32
      %dma_start3A_581 = tpu.memref_slice %arg4[%add3A_574, %dma_start3A_580] : memref<819200x128xf32, #tpu.memory_space<hbm>> -> memref<64x128xf32, #tpu.memory_space<hbm>>
      %dma_start3A_582 = arith.constant 0 : i32
      %dma_start3A_583 = tpu.memref_slice %arg4[%add3A_574, %dma_start3A_582] : memref<819200x128xf32, #tpu.memory_space<hbm>> -> memref<64x128xf32, #tpu.memory_space<hbm>>
      %dma_start3A_584 = arith.constant 0 : i32
      %dma_start3A_585 = arith.constant 0 : i32
      %dma_start3A_586 = tpu.memref_slice %arg6[%dma_start3A_575, %dma_start3A_584, %dma_start3A_585] : memref<10x64x128xf32, #tpu.memory_space<vmem>> -> memref<1x64x128xf32, #tpu.memory_space<vmem>>
      %dma_start3A_587 = tpu.memref_squeeze %dma_start3A_586 : memref<1x64x128xf32, #tpu.memory_space<vmem>> -> memref<64x128xf32, #tpu.memory_space<vmem>>
      tpu.enqueue_dma source(%dma_start3A_587 : memref<64x128xf32, #tpu.memory_space<vmem>>) target(%dma_start3A_583 : memref<64x128xf32, #tpu.memory_space<hbm>>) target_semaphore(%arg27 : memref<!tpu.dma_semaphore, #tpu.memory_space<semaphore_mem>>)
      %add3A_588 = arith.constant 1 : i32
      %add3A_589 = arith.addi %scan3A_237, %add3A_588 : i32
      %lt3A = arith.constant 40 : i32
      %lt3A_590 = arith.cmpi slt, %add3A_589, %lt3A : i32
      %convert_element_type3A_591 = arith.extui %lt3A_590 : i1 to i32
      %cond3A_592 = arith.constant 0 : i32
      %cond3A_593 = arith.cmpi ne, %convert_element_type3A_591, %cond3A_592 : i32
      scf.if %cond3A_593 {
        %dma_wait3A_594 = arith.constant 0 : i32
        %dma_wait3A_595 = arith.constant 0 : i32
        %dma_wait3A_596 = arith.constant 0 : i32
        %dma_wait3A_597 = tpu.memref_slice %arg6[%dma_wait3A_594, %dma_wait3A_595, %dma_wait3A_596] : memref<10x64x128xf32, #tpu.memory_space<vmem>> -> memref<1x64x128xf32, #tpu.memory_space<vmem>>
        %dma_wait3A_598 = tpu.memref_squeeze %dma_wait3A_597 : memref<1x64x128xf32, #tpu.memory_space<vmem>> -> memref<64x128xf32, #tpu.memory_space<vmem>>
        %dma_wait3A_599 = arith.constant 0 : i32
        %dma_wait3A_600 = tpu.memref_slice %arg4[%mul3A_2, %dma_wait3A_599] : memref<819200x128xf32, #tpu.memory_space<hbm>> -> memref<64x128xf32, #tpu.memory_space<hbm>>
        %dma_wait3A_601 = arith.constant 0 : i32
        %dma_wait3A_602 = tpu.memref_slice %arg4[%mul3A_2, %dma_wait3A_601] : memref<819200x128xf32, #tpu.memory_space<hbm>> -> memref<64x128xf32, #tpu.memory_space<hbm>>
        %dma_wait3A_603 = arith.constant 0 : i32
        %dma_wait3A_604 = arith.constant 0 : i32
        %dma_wait3A_605 = tpu.memref_slice %arg6[%dma_wait3A_594, %dma_wait3A_603, %dma_wait3A_604] : memref<10x64x128xf32, #tpu.memory_space<vmem>> -> memref<1x64x128xf32, #tpu.memory_space<vmem>>
        %dma_wait3A_606 = tpu.memref_squeeze %dma_wait3A_605 : memref<1x64x128xf32, #tpu.memory_space<vmem>> -> memref<64x128xf32, #tpu.memory_space<vmem>>
        tpu.wait_dma2 semaphore(%arg18 : memref<!tpu.dma_semaphore, #tpu.memory_space<semaphore_mem>>) src(%dma_wait3A_606 : memref<64x128xf32, #tpu.memory_space<vmem>>) dst(%dma_wait3A_602 : memref<64x128xf32, #tpu.memory_space<hbm>>)
        %add3A_607 = arith.constant 1 : i32
        %add3A_608 = arith.addi %scan3A_237, %add3A_607 : i32
        %mul3A_609 = arith.constant 10 : i32
        %mul3A_610 = arith.muli %add3A_608, %mul3A_609 : i32
        %add3A_611 = arith.constant 0 : i32
        %add3A_612 = arith.addi %mul3A_610, %add3A_611 : i32
        %mul3A_613 = arith.constant 64 : i32
        %mul3A_614 = arith.muli %add3A_612, %mul3A_613 : i32
        %dma_start3A_615 = arith.constant 0 : i32
        %dma_start3A_616 = arith.constant 0 : i32
        %dma_start3A_617 = arith.constant 0 : i32
        %dma_start3A_618 = tpu.memref_slice %arg6[%dma_start3A_615, %dma_start3A_616, %dma_start3A_617] : memref<10x64x128xf32, #tpu.memory_space<vmem>> -> memref<1x64x128xf32, #tpu.memory_space<vmem>>
        %dma_start3A_619 = tpu.memref_squeeze %dma_start3A_618 : memref<1x64x128xf32, #tpu.memory_space<vmem>> -> memref<64x128xf32, #tpu.memory_space<vmem>>
        %dma_start3A_620 = tpu.memref_slice %arg5[%mul3A_614] : memref<25600xi32, #tpu.memory_space<vmem>> -> memref<64xi32, #tpu.memory_space<vmem>>
        %dma_start3A_621 = arith.constant 0 : i32
        %dma_start3A_622 = arith.constant 0 : i32
        %dma_start3A_623 = tpu.memref_slice %arg7[%dma_start3A_621, %dma_start3A_622] : memref<1000x128xf32, #tpu.memory_space<vmem_shared>> -> memref<1000x128xf32, #tpu.memory_space<vmem_shared>>
        tpu.enqueue_indirect_dma source(%dma_start3A_623 : memref<1000x128xf32, #tpu.memory_space<vmem_shared>>) target(%dma_start3A_619 : memref<64x128xf32, #tpu.memory_space<vmem>>) offsets(%dma_start3A_620 : memref<64xi32, #tpu.memory_space<vmem>>) semaphore(%arg8 : memref<!tpu.dma_semaphore, #tpu.memory_space<semaphore_mem>>)
        %dma_wait3A_624 = arith.constant 1 : i32
        %dma_wait3A_625 = arith.constant 0 : i32
        %dma_wait3A_626 = arith.constant 0 : i32
        %dma_wait3A_627 = tpu.memref_slice %arg6[%dma_wait3A_624, %dma_wait3A_625, %dma_wait3A_626] : memref<10x64x128xf32, #tpu.memory_space<vmem>> -> memref<1x64x128xf32, #tpu.memory_space<vmem>>
        %dma_wait3A_628 = tpu.memref_squeeze %dma_wait3A_627 : memref<1x64x128xf32, #tpu.memory_space<vmem>> -> memref<64x128xf32, #tpu.memory_space<vmem>>
        %dma_wait3A_629 = arith.constant 0 : i32
        %dma_wait3A_630 = tpu.memref_slice %arg4[%mul3A_2, %dma_wait3A_629] : memref<819200x128xf32, #tpu.memory_space<hbm>> -> memref<64x128xf32, #tpu.memory_space<hbm>>
        %dma_wait3A_631 = arith.constant 0 : i32
        %dma_wait3A_632 = tpu.memref_slice %arg4[%mul3A_2, %dma_wait3A_631] : memref<819200x128xf32, #tpu.memory_space<hbm>> -> memref<64x128xf32, #tpu.memory_space<hbm>>
        %dma_wait3A_633 = arith.constant 0 : i32
        %dma_wait3A_634 = arith.constant 0 : i32
        %dma_wait3A_635 = tpu.memref_slice %arg6[%dma_wait3A_624, %dma_wait3A_633, %dma_wait3A_634] : memref<10x64x128xf32, #tpu.memory_space<vmem>> -> memref<1x64x128xf32, #tpu.memory_space<vmem>>
        %dma_wait3A_636 = tpu.memref_squeeze %dma_wait3A_635 : memref<1x64x128xf32, #tpu.memory_space<vmem>> -> memref<64x128xf32, #tpu.memory_space<vmem>>
        tpu.wait_dma2 semaphore(%arg19 : memref<!tpu.dma_semaphore, #tpu.memory_space<semaphore_mem>>) src(%dma_wait3A_636 : memref<64x128xf32, #tpu.memory_space<vmem>>) dst(%dma_wait3A_632 : memref<64x128xf32, #tpu.memory_space<hbm>>)
        %add3A_637 = arith.constant 1 : i32
        %add3A_638 = arith.addi %scan3A_237, %add3A_637 : i32
        %mul3A_639 = arith.constant 10 : i32
        %mul3A_640 = arith.muli %add3A_638, %mul3A_639 : i32
        %add3A_641 = arith.constant 1 : i32
        %add3A_642 = arith.addi %mul3A_640, %add3A_641 : i32
        %mul3A_643 = arith.constant 64 : i32
        %mul3A_644 = arith.muli %add3A_642, %mul3A_643 : i32
        %dma_start3A_645 = arith.constant 1 : i32
        %dma_start3A_646 = arith.constant 0 : i32
        %dma_start3A_647 = arith.constant 0 : i32
        %dma_start3A_648 = tpu.memref_slice %arg6[%dma_start3A_645, %dma_start3A_646, %dma_start3A_647] : memref<10x64x128xf32, #tpu.memory_space<vmem>> -> memref<1x64x128xf32, #tpu.memory_space<vmem>>
        %dma_start3A_649 = tpu.memref_squeeze %dma_start3A_648 : memref<1x64x128xf32, #tpu.memory_space<vmem>> -> memref<64x128xf32, #tpu.memory_space<vmem>>
        %dma_start3A_650 = tpu.memref_slice %arg5[%mul3A_644] : memref<25600xi32, #tpu.memory_space<vmem>> -> memref<64xi32, #tpu.memory_space<vmem>>
        %dma_start3A_651 = arith.constant 0 : i32
        %dma_start3A_652 = arith.constant 0 : i32
        %dma_start3A_653 = tpu.memref_slice %arg7[%dma_start3A_651, %dma_start3A_652] : memref<1000x128xf32, #tpu.memory_space<vmem_shared>> -> memref<1000x128xf32, #tpu.memory_space<vmem_shared>>
        tpu.enqueue_indirect_dma source(%dma_start3A_653 : memref<1000x128xf32, #tpu.memory_space<vmem_shared>>) target(%dma_start3A_649 : memref<64x128xf32, #tpu.memory_space<vmem>>) offsets(%dma_start3A_650 : memref<64xi32, #tpu.memory_space<vmem>>) semaphore(%arg9 : memref<!tpu.dma_semaphore, #tpu.memory_space<semaphore_mem>>)
        %dma_wait3A_654 = arith.constant 2 : i32
        %dma_wait3A_655 = arith.constant 0 : i32
        %dma_wait3A_656 = arith.constant 0 : i32
        %dma_wait3A_657 = tpu.memref_slice %arg6[%dma_wait3A_654, %dma_wait3A_655, %dma_wait3A_656] : memref<10x64x128xf32, #tpu.memory_space<vmem>> -> memref<1x64x128xf32, #tpu.memory_space<vmem>>
        %dma_wait3A_658 = tpu.memref_squeeze %dma_wait3A_657 : memref<1x64x128xf32, #tpu.memory_space<vmem>> -> memref<64x128xf32, #tpu.memory_space<vmem>>
        %dma_wait3A_659 = arith.constant 0 : i32
        %dma_wait3A_660 = tpu.memref_slice %arg4[%mul3A_2, %dma_wait3A_659] : memref<819200x128xf32, #tpu.memory_space<hbm>> -> memref<64x128xf32, #tpu.memory_space<hbm>>
        %dma_wait3A_661 = arith.constant 0 : i32
        %dma_wait3A_662 = tpu.memref_slice %arg4[%mul3A_2, %dma_wait3A_661] : memref<819200x128xf32, #tpu.memory_space<hbm>> -> memref<64x128xf32, #tpu.memory_space<hbm>>
        %dma_wait3A_663 = arith.constant 0 : i32
        %dma_wait3A_664 = arith.constant 0 : i32
        %dma_wait3A_665 = tpu.memref_slice %arg6[%dma_wait3A_654, %dma_wait3A_663, %dma_wait3A_664] : memref<10x64x128xf32, #tpu.memory_space<vmem>> -> memref<1x64x128xf32, #tpu.memory_space<vmem>>
        %dma_wait3A_666 = tpu.memref_squeeze %dma_wait3A_665 : memref<1x64x128xf32, #tpu.memory_space<vmem>> -> memref<64x128xf32, #tpu.memory_space<vmem>>
        tpu.wait_dma2 semaphore(%arg20 : memref<!tpu.dma_semaphore, #tpu.memory_space<semaphore_mem>>) src(%dma_wait3A_666 : memref<64x128xf32, #tpu.memory_space<vmem>>) dst(%dma_wait3A_662 : memref<64x128xf32, #tpu.memory_space<hbm>>)
        %add3A_667 = arith.constant 1 : i32
        %add3A_668 = arith.addi %scan3A_237, %add3A_667 : i32
        %mul3A_669 = arith.constant 10 : i32
        %mul3A_670 = arith.muli %add3A_668, %mul3A_669 : i32
        %add3A_671 = arith.constant 2 : i32
        %add3A_672 = arith.addi %mul3A_670, %add3A_671 : i32
        %mul3A_673 = arith.constant 64 : i32
        %mul3A_674 = arith.muli %add3A_672, %mul3A_673 : i32
        %dma_start3A_675 = arith.constant 2 : i32
        %dma_start3A_676 = arith.constant 0 : i32
        %dma_start3A_677 = arith.constant 0 : i32
        %dma_start3A_678 = tpu.memref_slice %arg6[%dma_start3A_675, %dma_start3A_676, %dma_start3A_677] : memref<10x64x128xf32, #tpu.memory_space<vmem>> -> memref<1x64x128xf32, #tpu.memory_space<vmem>>
        %dma_start3A_679 = tpu.memref_squeeze %dma_start3A_678 : memref<1x64x128xf32, #tpu.memory_space<vmem>> -> memref<64x128xf32, #tpu.memory_space<vmem>>
        %dma_start3A_680 = tpu.memref_slice %arg5[%mul3A_674] : memref<25600xi32, #tpu.memory_space<vmem>> -> memref<64xi32, #tpu.memory_space<vmem>>
        %dma_start3A_681 = arith.constant 0 : i32
        %dma_start3A_682 = arith.constant 0 : i32
        %dma_start3A_683 = tpu.memref_slice %arg7[%dma_start3A_681, %dma_start3A_682] : memref<1000x128xf32, #tpu.memory_space<vmem_shared>> -> memref<1000x128xf32, #tpu.memory_space<vmem_shared>>
        tpu.enqueue_indirect_dma source(%dma_start3A_683 : memref<1000x128xf32, #tpu.memory_space<vmem_shared>>) target(%dma_start3A_679 : memref<64x128xf32, #tpu.memory_space<vmem>>) offsets(%dma_start3A_680 : memref<64xi32, #tpu.memory_space<vmem>>) semaphore(%arg10 : memref<!tpu.dma_semaphore, #tpu.memory_space<semaphore_mem>>)
        %dma_wait3A_684 = arith.constant 3 : i32
        %dma_wait3A_685 = arith.constant 0 : i32
        %dma_wait3A_686 = arith.constant 0 : i32
        %dma_wait3A_687 = tpu.memref_slice %arg6[%dma_wait3A_684, %dma_wait3A_685, %dma_wait3A_686] : memref<10x64x128xf32, #tpu.memory_space<vmem>> -> memref<1x64x128xf32, #tpu.memory_space<vmem>>
        %dma_wait3A_688 = tpu.memref_squeeze %dma_wait3A_687 : memref<1x64x128xf32, #tpu.memory_space<vmem>> -> memref<64x128xf32, #tpu.memory_space<vmem>>
        %dma_wait3A_689 = arith.constant 0 : i32
        %dma_wait3A_690 = tpu.memref_slice %arg4[%mul3A_2, %dma_wait3A_689] : memref<819200x128xf32, #tpu.memory_space<hbm>> -> memref<64x128xf32, #tpu.memory_space<hbm>>
        %dma_wait3A_691 = arith.constant 0 : i32
        %dma_wait3A_692 = tpu.memref_slice %arg4[%mul3A_2, %dma_wait3A_691] : memref<819200x128xf32, #tpu.memory_space<hbm>> -> memref<64x128xf32, #tpu.memory_space<hbm>>
        %dma_wait3A_693 = arith.constant 0 : i32
        %dma_wait3A_694 = arith.constant 0 : i32
        %dma_wait3A_695 = tpu.memref_slice %arg6[%dma_wait3A_684, %dma_wait3A_693, %dma_wait3A_694] : memref<10x64x128xf32, #tpu.memory_space<vmem>> -> memref<1x64x128xf32, #tpu.memory_space<vmem>>
        %dma_wait3A_696 = tpu.memref_squeeze %dma_wait3A_695 : memref<1x64x128xf32, #tpu.memory_space<vmem>> -> memref<64x128xf32, #tpu.memory_space<vmem>>
        tpu.wait_dma2 semaphore(%arg21 : memref<!tpu.dma_semaphore, #tpu.memory_space<semaphore_mem>>) src(%dma_wait3A_696 : memref<64x128xf32, #tpu.memory_space<vmem>>) dst(%dma_wait3A_692 : memref<64x128xf32, #tpu.memory_space<hbm>>)
        %add3A_697 = arith.constant 1 : i32
        %add3A_698 = arith.addi %scan3A_237, %add3A_697 : i32
        %mul3A_699 = arith.constant 10 : i32
        %mul3A_700 = arith.muli %add3A_698, %mul3A_699 : i32
        %add3A_701 = arith.constant 3 : i32
        %add3A_702 = arith.addi %mul3A_700, %add3A_701 : i32
        %mul3A_703 = arith.constant 64 : i32
        %mul3A_704 = arith.muli %add3A_702, %mul3A_703 : i32
        %dma_start3A_705 = arith.constant 3 : i32
        %dma_start3A_706 = arith.constant 0 : i32
        %dma_start3A_707 = arith.constant 0 : i32
        %dma_start3A_708 = tpu.memref_slice %arg6[%dma_start3A_705, %dma_start3A_706, %dma_start3A_707] : memref<10x64x128xf32, #tpu.memory_space<vmem>> -> memref<1x64x128xf32, #tpu.memory_space<vmem>>
        %dma_start3A_709 = tpu.memref_squeeze %dma_start3A_708 : memref<1x64x128xf32, #tpu.memory_space<vmem>> -> memref<64x128xf32, #tpu.memory_space<vmem>>
        %dma_start3A_710 = tpu.memref_slice %arg5[%mul3A_704] : memref<25600xi32, #tpu.memory_space<vmem>> -> memref<64xi32, #tpu.memory_space<vmem>>
        %dma_start3A_711 = arith.constant 0 : i32
        %dma_start3A_712 = arith.constant 0 : i32
        %dma_start3A_713 = tpu.memref_slice %arg7[%dma_start3A_711, %dma_start3A_712] : memref<1000x128xf32, #tpu.memory_space<vmem_shared>> -> memref<1000x128xf32, #tpu.memory_space<vmem_shared>>
        tpu.enqueue_indirect_dma source(%dma_start3A_713 : memref<1000x128xf32, #tpu.memory_space<vmem_shared>>) target(%dma_start3A_709 : memref<64x128xf32, #tpu.memory_space<vmem>>) offsets(%dma_start3A_710 : memref<64xi32, #tpu.memory_space<vmem>>) semaphore(%arg11 : memref<!tpu.dma_semaphore, #tpu.memory_space<semaphore_mem>>)
        %dma_wait3A_714 = arith.constant 4 : i32
        %dma_wait3A_715 = arith.constant 0 : i32
        %dma_wait3A_716 = arith.constant 0 : i32
        %dma_wait3A_717 = tpu.memref_slice %arg6[%dma_wait3A_714, %dma_wait3A_715, %dma_wait3A_716] : memref<10x64x128xf32, #tpu.memory_space<vmem>> -> memref<1x64x128xf32, #tpu.memory_space<vmem>>
        %dma_wait3A_718 = tpu.memref_squeeze %dma_wait3A_717 : memref<1x64x128xf32, #tpu.memory_space<vmem>> -> memref<64x128xf32, #tpu.memory_space<vmem>>
        %dma_wait3A_719 = arith.constant 0 : i32
        %dma_wait3A_720 = tpu.memref_slice %arg4[%mul3A_2, %dma_wait3A_719] : memref<819200x128xf32, #tpu.memory_space<hbm>> -> memref<64x128xf32, #tpu.memory_space<hbm>>
        %dma_wait3A_721 = arith.constant 0 : i32
        %dma_wait3A_722 = tpu.memref_slice %arg4[%mul3A_2, %dma_wait3A_721] : memref<819200x128xf32, #tpu.memory_space<hbm>> -> memref<64x128xf32, #tpu.memory_space<hbm>>
        %dma_wait3A_723 = arith.constant 0 : i32
        %dma_wait3A_724 = arith.constant 0 : i32
        %dma_wait3A_725 = tpu.memref_slice %arg6[%dma_wait3A_714, %dma_wait3A_723, %dma_wait3A_724] : memref<10x64x128xf32, #tpu.memory_space<vmem>> -> memref<1x64x128xf32, #tpu.memory_space<vmem>>
        %dma_wait3A_726 = tpu.memref_squeeze %dma_wait3A_725 : memref<1x64x128xf32, #tpu.memory_space<vmem>> -> memref<64x128xf32, #tpu.memory_space<vmem>>
        tpu.wait_dma2 semaphore(%arg22 : memref<!tpu.dma_semaphore, #tpu.memory_space<semaphore_mem>>) src(%dma_wait3A_726 : memref<64x128xf32, #tpu.memory_space<vmem>>) dst(%dma_wait3A_722 : memref<64x128xf32, #tpu.memory_space<hbm>>)
        %add3A_727 = arith.constant 1 : i32
        %add3A_728 = arith.addi %scan3A_237, %add3A_727 : i32
        %mul3A_729 = arith.constant 10 : i32
        %mul3A_730 = arith.muli %add3A_728, %mul3A_729 : i32
        %add3A_731 = arith.constant 4 : i32
        %add3A_732 = arith.addi %mul3A_730, %add3A_731 : i32
        %mul3A_733 = arith.constant 64 : i32
        %mul3A_734 = arith.muli %add3A_732, %mul3A_733 : i32
        %dma_start3A_735 = arith.constant 4 : i32
        %dma_start3A_736 = arith.constant 0 : i32
        %dma_start3A_737 = arith.constant 0 : i32
        %dma_start3A_738 = tpu.memref_slice %arg6[%dma_start3A_735, %dma_start3A_736, %dma_start3A_737] : memref<10x64x128xf32, #tpu.memory_space<vmem>> -> memref<1x64x128xf32, #tpu.memory_space<vmem>>
        %dma_start3A_739 = tpu.memref_squeeze %dma_start3A_738 : memref<1x64x128xf32, #tpu.memory_space<vmem>> -> memref<64x128xf32, #tpu.memory_space<vmem>>
        %dma_start3A_740 = tpu.memref_slice %arg5[%mul3A_734] : memref<25600xi32, #tpu.memory_space<vmem>> -> memref<64xi32, #tpu.memory_space<vmem>>
        %dma_start3A_741 = arith.constant 0 : i32
        %dma_start3A_742 = arith.constant 0 : i32
        %dma_start3A_743 = tpu.memref_slice %arg7[%dma_start3A_741, %dma_start3A_742] : memref<1000x128xf32, #tpu.memory_space<vmem_shared>> -> memref<1000x128xf32, #tpu.memory_space<vmem_shared>>
        tpu.enqueue_indirect_dma source(%dma_start3A_743 : memref<1000x128xf32, #tpu.memory_space<vmem_shared>>) target(%dma_start3A_739 : memref<64x128xf32, #tpu.memory_space<vmem>>) offsets(%dma_start3A_740 : memref<64xi32, #tpu.memory_space<vmem>>) semaphore(%arg12 : memref<!tpu.dma_semaphore, #tpu.memory_space<semaphore_mem>>)
        %dma_wait3A_744 = arith.constant 5 : i32
        %dma_wait3A_745 = arith.constant 0 : i32
        %dma_wait3A_746 = arith.constant 0 : i32
        %dma_wait3A_747 = tpu.memref_slice %arg6[%dma_wait3A_744, %dma_wait3A_745, %dma_wait3A_746] : memref<10x64x128xf32, #tpu.memory_space<vmem>> -> memref<1x64x128xf32, #tpu.memory_space<vmem>>
        %dma_wait3A_748 = tpu.memref_squeeze %dma_wait3A_747 : memref<1x64x128xf32, #tpu.memory_space<vmem>> -> memref<64x128xf32, #tpu.memory_space<vmem>>
        %dma_wait3A_749 = arith.constant 0 : i32
        %dma_wait3A_750 = tpu.memref_slice %arg4[%mul3A_2, %dma_wait3A_749] : memref<819200x128xf32, #tpu.memory_space<hbm>> -> memref<64x128xf32, #tpu.memory_space<hbm>>
        %dma_wait3A_751 = arith.constant 0 : i32
        %dma_wait3A_752 = tpu.memref_slice %arg4[%mul3A_2, %dma_wait3A_751] : memref<819200x128xf32, #tpu.memory_space<hbm>> -> memref<64x128xf32, #tpu.memory_space<hbm>>
        %dma_wait3A_753 = arith.constant 0 : i32
        %dma_wait3A_754 = arith.constant 0 : i32
        %dma_wait3A_755 = tpu.memref_slice %arg6[%dma_wait3A_744, %dma_wait3A_753, %dma_wait3A_754] : memref<10x64x128xf32, #tpu.memory_space<vmem>> -> memref<1x64x128xf32, #tpu.memory_space<vmem>>
        %dma_wait3A_756 = tpu.memref_squeeze %dma_wait3A_755 : memref<1x64x128xf32, #tpu.memory_space<vmem>> -> memref<64x128xf32, #tpu.memory_space<vmem>>
        tpu.wait_dma2 semaphore(%arg23 : memref<!tpu.dma_semaphore, #tpu.memory_space<semaphore_mem>>) src(%dma_wait3A_756 : memref<64x128xf32, #tpu.memory_space<vmem>>) dst(%dma_wait3A_752 : memref<64x128xf32, #tpu.memory_space<hbm>>)
        %add3A_757 = arith.constant 1 : i32
        %add3A_758 = arith.addi %scan3A_237, %add3A_757 : i32
        %mul3A_759 = arith.constant 10 : i32
        %mul3A_760 = arith.muli %add3A_758, %mul3A_759 : i32
        %add3A_761 = arith.constant 5 : i32
        %add3A_762 = arith.addi %mul3A_760, %add3A_761 : i32
        %mul3A_763 = arith.constant 64 : i32
        %mul3A_764 = arith.muli %add3A_762, %mul3A_763 : i32
        %dma_start3A_765 = arith.constant 5 : i32
        %dma_start3A_766 = arith.constant 0 : i32
        %dma_start3A_767 = arith.constant 0 : i32
        %dma_start3A_768 = tpu.memref_slice %arg6[%dma_start3A_765, %dma_start3A_766, %dma_start3A_767] : memref<10x64x128xf32, #tpu.memory_space<vmem>> -> memref<1x64x128xf32, #tpu.memory_space<vmem>>
        %dma_start3A_769 = tpu.memref_squeeze %dma_start3A_768 : memref<1x64x128xf32, #tpu.memory_space<vmem>> -> memref<64x128xf32, #tpu.memory_space<vmem>>
        %dma_start3A_770 = tpu.memref_slice %arg5[%mul3A_764] : memref<25600xi32, #tpu.memory_space<vmem>> -> memref<64xi32, #tpu.memory_space<vmem>>
        %dma_start3A_771 = arith.constant 0 : i32
        %dma_start3A_772 = arith.constant 0 : i32
        %dma_start3A_773 = tpu.memref_slice %arg7[%dma_start3A_771, %dma_start3A_772] : memref<1000x128xf32, #tpu.memory_space<vmem_shared>> -> memref<1000x128xf32, #tpu.memory_space<vmem_shared>>
        tpu.enqueue_indirect_dma source(%dma_start3A_773 : memref<1000x128xf32, #tpu.memory_space<vmem_shared>>) target(%dma_start3A_769 : memref<64x128xf32, #tpu.memory_space<vmem>>) offsets(%dma_start3A_770 : memref<64xi32, #tpu.memory_space<vmem>>) semaphore(%arg13 : memref<!tpu.dma_semaphore, #tpu.memory_space<semaphore_mem>>)
        %dma_wait3A_774 = arith.constant 6 : i32
        %dma_wait3A_775 = arith.constant 0 : i32
        %dma_wait3A_776 = arith.constant 0 : i32
        %dma_wait3A_777 = tpu.memref_slice %arg6[%dma_wait3A_774, %dma_wait3A_775, %dma_wait3A_776] : memref<10x64x128xf32, #tpu.memory_space<vmem>> -> memref<1x64x128xf32, #tpu.memory_space<vmem>>
        %dma_wait3A_778 = tpu.memref_squeeze %dma_wait3A_777 : memref<1x64x128xf32, #tpu.memory_space<vmem>> -> memref<64x128xf32, #tpu.memory_space<vmem>>
        %dma_wait3A_779 = arith.constant 0 : i32
        %dma_wait3A_780 = tpu.memref_slice %arg4[%mul3A_2, %dma_wait3A_779] : memref<819200x128xf32, #tpu.memory_space<hbm>> -> memref<64x128xf32, #tpu.memory_space<hbm>>
        %dma_wait3A_781 = arith.constant 0 : i32
        %dma_wait3A_782 = tpu.memref_slice %arg4[%mul3A_2, %dma_wait3A_781] : memref<819200x128xf32, #tpu.memory_space<hbm>> -> memref<64x128xf32, #tpu.memory_space<hbm>>
        %dma_wait3A_783 = arith.constant 0 : i32
        %dma_wait3A_784 = arith.constant 0 : i32
        %dma_wait3A_785 = tpu.memref_slice %arg6[%dma_wait3A_774, %dma_wait3A_783, %dma_wait3A_784] : memref<10x64x128xf32, #tpu.memory_space<vmem>> -> memref<1x64x128xf32, #tpu.memory_space<vmem>>
        %dma_wait3A_786 = tpu.memref_squeeze %dma_wait3A_785 : memref<1x64x128xf32, #tpu.memory_space<vmem>> -> memref<64x128xf32, #tpu.memory_space<vmem>>
        tpu.wait_dma2 semaphore(%arg24 : memref<!tpu.dma_semaphore, #tpu.memory_space<semaphore_mem>>) src(%dma_wait3A_786 : memref<64x128xf32, #tpu.memory_space<vmem>>) dst(%dma_wait3A_782 : memref<64x128xf32, #tpu.memory_space<hbm>>)
        %add3A_787 = arith.constant 1 : i32
        %add3A_788 = arith.addi %scan3A_237, %add3A_787 : i32
        %mul3A_789 = arith.constant 10 : i32
        %mul3A_790 = arith.muli %add3A_788, %mul3A_789 : i32
        %add3A_791 = arith.constant 6 : i32
        %add3A_792 = arith.addi %mul3A_790, %add3A_791 : i32
        %mul3A_793 = arith.constant 64 : i32
        %mul3A_794 = arith.muli %add3A_792, %mul3A_793 : i32
        %dma_start3A_795 = arith.constant 6 : i32
        %dma_start3A_796 = arith.constant 0 : i32
        %dma_start3A_797 = arith.constant 0 : i32
        %dma_start3A_798 = tpu.memref_slice %arg6[%dma_start3A_795, %dma_start3A_796, %dma_start3A_797] : memref<10x64x128xf32, #tpu.memory_space<vmem>> -> memref<1x64x128xf32, #tpu.memory_space<vmem>>
        %dma_start3A_799 = tpu.memref_squeeze %dma_start3A_798 : memref<1x64x128xf32, #tpu.memory_space<vmem>> -> memref<64x128xf32, #tpu.memory_space<vmem>>
        %dma_start3A_800 = tpu.memref_slice %arg5[%mul3A_794] : memref<25600xi32, #tpu.memory_space<vmem>> -> memref<64xi32, #tpu.memory_space<vmem>>
        %dma_start3A_801 = arith.constant 0 : i32
        %dma_start3A_802 = arith.constant 0 : i32
        %dma_start3A_803 = tpu.memref_slice %arg7[%dma_start3A_801, %dma_start3A_802] : memref<1000x128xf32, #tpu.memory_space<vmem_shared>> -> memref<1000x128xf32, #tpu.memory_space<vmem_shared>>
        tpu.enqueue_indirect_dma source(%dma_start3A_803 : memref<1000x128xf32, #tpu.memory_space<vmem_shared>>) target(%dma_start3A_799 : memref<64x128xf32, #tpu.memory_space<vmem>>) offsets(%dma_start3A_800 : memref<64xi32, #tpu.memory_space<vmem>>) semaphore(%arg14 : memref<!tpu.dma_semaphore, #tpu.memory_space<semaphore_mem>>)
        %dma_wait3A_804 = arith.constant 7 : i32
        %dma_wait3A_805 = arith.constant 0 : i32
        %dma_wait3A_806 = arith.constant 0 : i32
        %dma_wait3A_807 = tpu.memref_slice %arg6[%dma_wait3A_804, %dma_wait3A_805, %dma_wait3A_806] : memref<10x64x128xf32, #tpu.memory_space<vmem>> -> memref<1x64x128xf32, #tpu.memory_space<vmem>>
        %dma_wait3A_808 = tpu.memref_squeeze %dma_wait3A_807 : memref<1x64x128xf32, #tpu.memory_space<vmem>> -> memref<64x128xf32, #tpu.memory_space<vmem>>
        %dma_wait3A_809 = arith.constant 0 : i32
        %dma_wait3A_810 = tpu.memref_slice %arg4[%mul3A_2, %dma_wait3A_809] : memref<819200x128xf32, #tpu.memory_space<hbm>> -> memref<64x128xf32, #tpu.memory_space<hbm>>
        %dma_wait3A_811 = arith.constant 0 : i32
        %dma_wait3A_812 = tpu.memref_slice %arg4[%mul3A_2, %dma_wait3A_811] : memref<819200x128xf32, #tpu.memory_space<hbm>> -> memref<64x128xf32, #tpu.memory_space<hbm>>
        %dma_wait3A_813 = arith.constant 0 : i32
        %dma_wait3A_814 = arith.constant 0 : i32
        %dma_wait3A_815 = tpu.memref_slice %arg6[%dma_wait3A_804, %dma_wait3A_813, %dma_wait3A_814] : memref<10x64x128xf32, #tpu.memory_space<vmem>> -> memref<1x64x128xf32, #tpu.memory_space<vmem>>
        %dma_wait3A_816 = tpu.memref_squeeze %dma_wait3A_815 : memref<1x64x128xf32, #tpu.memory_space<vmem>> -> memref<64x128xf32, #tpu.memory_space<vmem>>
        tpu.wait_dma2 semaphore(%arg25 : memref<!tpu.dma_semaphore, #tpu.memory_space<semaphore_mem>>) src(%dma_wait3A_816 : memref<64x128xf32, #tpu.memory_space<vmem>>) dst(%dma_wait3A_812 : memref<64x128xf32, #tpu.memory_space<hbm>>)
        %add3A_817 = arith.constant 1 : i32
        %add3A_818 = arith.addi %scan3A_237, %add3A_817 : i32
        %mul3A_819 = arith.constant 10 : i32
        %mul3A_820 = arith.muli %add3A_818, %mul3A_819 : i32
        %add3A_821 = arith.constant 7 : i32
        %add3A_822 = arith.addi %mul3A_820, %add3A_821 : i32
        %mul3A_823 = arith.constant 64 : i32
        %mul3A_824 = arith.muli %add3A_822, %mul3A_823 : i32
        %dma_start3A_825 = arith.constant 7 : i32
        %dma_start3A_826 = arith.constant 0 : i32
        %dma_start3A_827 = arith.constant 0 : i32
        %dma_start3A_828 = tpu.memref_slice %arg6[%dma_start3A_825, %dma_start3A_826, %dma_start3A_827] : memref<10x64x128xf32, #tpu.memory_space<vmem>> -> memref<1x64x128xf32, #tpu.memory_space<vmem>>
        %dma_start3A_829 = tpu.memref_squeeze %dma_start3A_828 : memref<1x64x128xf32, #tpu.memory_space<vmem>> -> memref<64x128xf32, #tpu.memory_space<vmem>>
        %dma_start3A_830 = tpu.memref_slice %arg5[%mul3A_824] : memref<25600xi32, #tpu.memory_space<vmem>> -> memref<64xi32, #tpu.memory_space<vmem>>
        %dma_start3A_831 = arith.constant 0 : i32
        %dma_start3A_832 = arith.constant 0 : i32
        %dma_start3A_833 = tpu.memref_slice %arg7[%dma_start3A_831, %dma_start3A_832] : memref<1000x128xf32, #tpu.memory_space<vmem_shared>> -> memref<1000x128xf32, #tpu.memory_space<vmem_shared>>
        tpu.enqueue_indirect_dma source(%dma_start3A_833 : memref<1000x128xf32, #tpu.memory_space<vmem_shared>>) target(%dma_start3A_829 : memref<64x128xf32, #tpu.memory_space<vmem>>) offsets(%dma_start3A_830 : memref<64xi32, #tpu.memory_space<vmem>>) semaphore(%arg15 : memref<!tpu.dma_semaphore, #tpu.memory_space<semaphore_mem>>)
        %dma_wait3A_834 = arith.constant 8 : i32
        %dma_wait3A_835 = arith.constant 0 : i32
        %dma_wait3A_836 = arith.constant 0 : i32
        %dma_wait3A_837 = tpu.memref_slice %arg6[%dma_wait3A_834, %dma_wait3A_835, %dma_wait3A_836] : memref<10x64x128xf32, #tpu.memory_space<vmem>> -> memref<1x64x128xf32, #tpu.memory_space<vmem>>
        %dma_wait3A_838 = tpu.memref_squeeze %dma_wait3A_837 : memref<1x64x128xf32, #tpu.memory_space<vmem>> -> memref<64x128xf32, #tpu.memory_space<vmem>>
        %dma_wait3A_839 = arith.constant 0 : i32
        %dma_wait3A_840 = tpu.memref_slice %arg4[%mul3A_2, %dma_wait3A_839] : memref<819200x128xf32, #tpu.memory_space<hbm>> -> memref<64x128xf32, #tpu.memory_space<hbm>>
        %dma_wait3A_841 = arith.constant 0 : i32
        %dma_wait3A_842 = tpu.memref_slice %arg4[%mul3A_2, %dma_wait3A_841] : memref<819200x128xf32, #tpu.memory_space<hbm>> -> memref<64x128xf32, #tpu.memory_space<hbm>>
        %dma_wait3A_843 = arith.constant 0 : i32
        %dma_wait3A_844 = arith.constant 0 : i32
        %dma_wait3A_845 = tpu.memref_slice %arg6[%dma_wait3A_834, %dma_wait3A_843, %dma_wait3A_844] : memref<10x64x128xf32, #tpu.memory_space<vmem>> -> memref<1x64x128xf32, #tpu.memory_space<vmem>>
        %dma_wait3A_846 = tpu.memref_squeeze %dma_wait3A_845 : memref<1x64x128xf32, #tpu.memory_space<vmem>> -> memref<64x128xf32, #tpu.memory_space<vmem>>
        tpu.wait_dma2 semaphore(%arg26 : memref<!tpu.dma_semaphore, #tpu.memory_space<semaphore_mem>>) src(%dma_wait3A_846 : memref<64x128xf32, #tpu.memory_space<vmem>>) dst(%dma_wait3A_842 : memref<64x128xf32, #tpu.memory_space<hbm>>)
        %add3A_847 = arith.constant 1 : i32
        %add3A_848 = arith.addi %scan3A_237, %add3A_847 : i32
        %mul3A_849 = arith.constant 10 : i32
        %mul3A_850 = arith.muli %add3A_848, %mul3A_849 : i32
        %add3A_851 = arith.constant 8 : i32
        %add3A_852 = arith.addi %mul3A_850, %add3A_851 : i32
        %mul3A_853 = arith.constant 64 : i32
        %mul3A_854 = arith.muli %add3A_852, %mul3A_853 : i32
        %dma_start3A_855 = arith.constant 8 : i32
        %dma_start3A_856 = arith.constant 0 : i32
        %dma_start3A_857 = arith.constant 0 : i32
        %dma_start3A_858 = tpu.memref_slice %arg6[%dma_start3A_855, %dma_start3A_856, %dma_start3A_857] : memref<10x64x128xf32, #tpu.memory_space<vmem>> -> memref<1x64x128xf32, #tpu.memory_space<vmem>>
        %dma_start3A_859 = tpu.memref_squeeze %dma_start3A_858 : memref<1x64x128xf32, #tpu.memory_space<vmem>> -> memref<64x128xf32, #tpu.memory_space<vmem>>
        %dma_start3A_860 = tpu.memref_slice %arg5[%mul3A_854] : memref<25600xi32, #tpu.memory_space<vmem>> -> memref<64xi32, #tpu.memory_space<vmem>>
        %dma_start3A_861 = arith.constant 0 : i32
        %dma_start3A_862 = arith.constant 0 : i32
        %dma_start3A_863 = tpu.memref_slice %arg7[%dma_start3A_861, %dma_start3A_862] : memref<1000x128xf32, #tpu.memory_space<vmem_shared>> -> memref<1000x128xf32, #tpu.memory_space<vmem_shared>>
        tpu.enqueue_indirect_dma source(%dma_start3A_863 : memref<1000x128xf32, #tpu.memory_space<vmem_shared>>) target(%dma_start3A_859 : memref<64x128xf32, #tpu.memory_space<vmem>>) offsets(%dma_start3A_860 : memref<64xi32, #tpu.memory_space<vmem>>) semaphore(%arg16 : memref<!tpu.dma_semaphore, #tpu.memory_space<semaphore_mem>>)
        %dma_wait3A_864 = arith.constant 9 : i32
        %dma_wait3A_865 = arith.constant 0 : i32
        %dma_wait3A_866 = arith.constant 0 : i32
        %dma_wait3A_867 = tpu.memref_slice %arg6[%dma_wait3A_864, %dma_wait3A_865, %dma_wait3A_866] : memref<10x64x128xf32, #tpu.memory_space<vmem>> -> memref<1x64x128xf32, #tpu.memory_space<vmem>>
        %dma_wait3A_868 = tpu.memref_squeeze %dma_wait3A_867 : memref<1x64x128xf32, #tpu.memory_space<vmem>> -> memref<64x128xf32, #tpu.memory_space<vmem>>
        %dma_wait3A_869 = arith.constant 0 : i32
        %dma_wait3A_870 = tpu.memref_slice %arg4[%mul3A_2, %dma_wait3A_869] : memref<819200x128xf32, #tpu.memory_space<hbm>> -> memref<64x128xf32, #tpu.memory_space<hbm>>
        %dma_wait3A_871 = arith.constant 0 : i32
        %dma_wait3A_872 = tpu.memref_slice %arg4[%mul3A_2, %dma_wait3A_871] : memref<819200x128xf32, #tpu.memory_space<hbm>> -> memref<64x128xf32, #tpu.memory_space<hbm>>
        %dma_wait3A_873 = arith.constant 0 : i32
        %dma_wait3A_874 = arith.constant 0 : i32
        %dma_wait3A_875 = tpu.memref_slice %arg6[%dma_wait3A_864, %dma_wait3A_873, %dma_wait3A_874] : memref<10x64x128xf32, #tpu.memory_space<vmem>> -> memref<1x64x128xf32, #tpu.memory_space<vmem>>
        %dma_wait3A_876 = tpu.memref_squeeze %dma_wait3A_875 : memref<1x64x128xf32, #tpu.memory_space<vmem>> -> memref<64x128xf32, #tpu.memory_space<vmem>>
        tpu.wait_dma2 semaphore(%arg27 : memref<!tpu.dma_semaphore, #tpu.memory_space<semaphore_mem>>) src(%dma_wait3A_876 : memref<64x128xf32, #tpu.memory_space<vmem>>) dst(%dma_wait3A_872 : memref<64x128xf32, #tpu.memory_space<hbm>>)
        %add3A_877 = arith.constant 1 : i32
        %add3A_878 = arith.addi %scan3A_237, %add3A_877 : i32
        %mul3A_879 = arith.constant 10 : i32
        %mul3A_880 = arith.muli %add3A_878, %mul3A_879 : i32
        %add3A_881 = arith.constant 9 : i32
        %add3A_882 = arith.addi %mul3A_880, %add3A_881 : i32
        %mul3A_883 = arith.constant 64 : i32
        %mul3A_884 = arith.muli %add3A_882, %mul3A_883 : i32
        %dma_start3A_885 = arith.constant 9 : i32
        %dma_start3A_886 = arith.constant 0 : i32
        %dma_start3A_887 = arith.constant 0 : i32
        %dma_start3A_888 = tpu.memref_slice %arg6[%dma_start3A_885, %dma_start3A_886, %dma_start3A_887] : memref<10x64x128xf32, #tpu.memory_space<vmem>> -> memref<1x64x128xf32, #tpu.memory_space<vmem>>
        %dma_start3A_889 = tpu.memref_squeeze %dma_start3A_888 : memref<1x64x128xf32, #tpu.memory_space<vmem>> -> memref<64x128xf32, #tpu.memory_space<vmem>>
        %dma_start3A_890 = tpu.memref_slice %arg5[%mul3A_884] : memref<25600xi32, #tpu.memory_space<vmem>> -> memref<64xi32, #tpu.memory_space<vmem>>
        %dma_start3A_891 = arith.constant 0 : i32
        %dma_start3A_892 = arith.constant 0 : i32
        %dma_start3A_893 = tpu.memref_slice %arg7[%dma_start3A_891, %dma_start3A_892] : memref<1000x128xf32, #tpu.memory_space<vmem_shared>> -> memref<1000x128xf32, #tpu.memory_space<vmem_shared>>
        tpu.enqueue_indirect_dma source(%dma_start3A_893 : memref<1000x128xf32, #tpu.memory_space<vmem_shared>>) target(%dma_start3A_889 : memref<64x128xf32, #tpu.memory_space<vmem>>) offsets(%dma_start3A_890 : memref<64xi32, #tpu.memory_space<vmem>>) semaphore(%arg17 : memref<!tpu.dma_semaphore, #tpu.memory_space<semaphore_mem>>)
      } else {
      }
    }
    %scan3A_107 = arith.constant 40 : i32
    %dma_wait3A = arith.constant 0 : i32
    %dma_wait3A_108 = arith.constant 0 : i32
    %dma_wait3A_109 = arith.constant 0 : i32
    %dma_wait3A_110 = tpu.memref_slice %arg6[%dma_wait3A, %dma_wait3A_108, %dma_wait3A_109] : memref<10x64x128xf32, #tpu.memory_space<vmem>> -> memref<1x64x128xf32, #tpu.memory_space<vmem>>
    %dma_wait3A_111 = tpu.memref_squeeze %dma_wait3A_110 : memref<1x64x128xf32, #tpu.memory_space<vmem>> -> memref<64x128xf32, #tpu.memory_space<vmem>>
    %dma_wait3A_112 = arith.constant 0 : i32
    %dma_wait3A_113 = tpu.memref_slice %arg4[%mul3A_2, %dma_wait3A_112] : memref<819200x128xf32, #tpu.memory_space<hbm>> -> memref<64x128xf32, #tpu.memory_space<hbm>>
    %dma_wait3A_114 = arith.constant 0 : i32
    %dma_wait3A_115 = tpu.memref_slice %arg4[%mul3A_2, %dma_wait3A_114] : memref<819200x128xf32, #tpu.memory_space<hbm>> -> memref<64x128xf32, #tpu.memory_space<hbm>>
    %dma_wait3A_116 = arith.constant 0 : i32
    %dma_wait3A_117 = arith.constant 0 : i32
    %dma_wait3A_118 = tpu.memref_slice %arg6[%dma_wait3A, %dma_wait3A_116, %dma_wait3A_117] : memref<10x64x128xf32, #tpu.memory_space<vmem>> -> memref<1x64x128xf32, #tpu.memory_space<vmem>>
    %dma_wait3A_119 = tpu.memref_squeeze %dma_wait3A_118 : memref<1x64x128xf32, #tpu.memory_space<vmem>> -> memref<64x128xf32, #tpu.memory_space<vmem>>
    tpu.wait_dma2 semaphore(%arg18 : memref<!tpu.dma_semaphore, #tpu.memory_space<semaphore_mem>>) src(%dma_wait3A_119 : memref<64x128xf32, #tpu.memory_space<vmem>>) dst(%dma_wait3A_115 : memref<64x128xf32, #tpu.memory_space<hbm>>)
    %dma_wait3A_120 = arith.constant 1 : i32
    %dma_wait3A_121 = arith.constant 0 : i32
    %dma_wait3A_122 = arith.constant 0 : i32
    %dma_wait3A_123 = tpu.memref_slice %arg6[%dma_wait3A_120, %dma_wait3A_121, %dma_wait3A_122] : memref<10x64x128xf32, #tpu.memory_space<vmem>> -> memref<1x64x128xf32, #tpu.memory_space<vmem>>
    %dma_wait3A_124 = tpu.memref_squeeze %dma_wait3A_123 : memref<1x64x128xf32, #tpu.memory_space<vmem>> -> memref<64x128xf32, #tpu.memory_space<vmem>>
    %dma_wait3A_125 = arith.constant 0 : i32
    %dma_wait3A_126 = tpu.memref_slice %arg4[%mul3A_2, %dma_wait3A_125] : memref<819200x128xf32, #tpu.memory_space<hbm>> -> memref<64x128xf32, #tpu.memory_space<hbm>>
    %dma_wait3A_127 = arith.constant 0 : i32
    %dma_wait3A_128 = tpu.memref_slice %arg4[%mul3A_2, %dma_wait3A_127] : memref<819200x128xf32, #tpu.memory_space<hbm>> -> memref<64x128xf32, #tpu.memory_space<hbm>>
    %dma_wait3A_129 = arith.constant 0 : i32
    %dma_wait3A_130 = arith.constant 0 : i32
    %dma_wait3A_131 = tpu.memref_slice %arg6[%dma_wait3A_120, %dma_wait3A_129, %dma_wait3A_130] : memref<10x64x128xf32, #tpu.memory_space<vmem>> -> memref<1x64x128xf32, #tpu.memory_space<vmem>>
    %dma_wait3A_132 = tpu.memref_squeeze %dma_wait3A_131 : memref<1x64x128xf32, #tpu.memory_space<vmem>> -> memref<64x128xf32, #tpu.memory_space<vmem>>
    tpu.wait_dma2 semaphore(%arg19 : memref<!tpu.dma_semaphore, #tpu.memory_space<semaphore_mem>>) src(%dma_wait3A_132 : memref<64x128xf32, #tpu.memory_space<vmem>>) dst(%dma_wait3A_128 : memref<64x128xf32, #tpu.memory_space<hbm>>)
    %dma_wait3A_133 = arith.constant 2 : i32
    %dma_wait3A_134 = arith.constant 0 : i32
    %dma_wait3A_135 = arith.constant 0 : i32
    %dma_wait3A_136 = tpu.memref_slice %arg6[%dma_wait3A_133, %dma_wait3A_134, %dma_wait3A_135] : memref<10x64x128xf32, #tpu.memory_space<vmem>> -> memref<1x64x128xf32, #tpu.memory_space<vmem>>
    %dma_wait3A_137 = tpu.memref_squeeze %dma_wait3A_136 : memref<1x64x128xf32, #tpu.memory_space<vmem>> -> memref<64x128xf32, #tpu.memory_space<vmem>>
    %dma_wait3A_138 = arith.constant 0 : i32
    %dma_wait3A_139 = tpu.memref_slice %arg4[%mul3A_2, %dma_wait3A_138] : memref<819200x128xf32, #tpu.memory_space<hbm>> -> memref<64x128xf32, #tpu.memory_space<hbm>>
    %dma_wait3A_140 = arith.constant 0 : i32
    %dma_wait3A_141 = tpu.memref_slice %arg4[%mul3A_2, %dma_wait3A_140] : memref<819200x128xf32, #tpu.memory_space<hbm>> -> memref<64x128xf32, #tpu.memory_space<hbm>>
    %dma_wait3A_142 = arith.constant 0 : i32
    %dma_wait3A_143 = arith.constant 0 : i32
    %dma_wait3A_144 = tpu.memref_slice %arg6[%dma_wait3A_133, %dma_wait3A_142, %dma_wait3A_143] : memref<10x64x128xf32, #tpu.memory_space<vmem>> -> memref<1x64x128xf32, #tpu.memory_space<vmem>>
    %dma_wait3A_145 = tpu.memref_squeeze %dma_wait3A_144 : memref<1x64x128xf32, #tpu.memory_space<vmem>> -> memref<64x128xf32, #tpu.memory_space<vmem>>
    tpu.wait_dma2 semaphore(%arg20 : memref<!tpu.dma_semaphore, #tpu.memory_space<semaphore_mem>>) src(%dma_wait3A_145 : memref<64x128xf32, #tpu.memory_space<vmem>>) dst(%dma_wait3A_141 : memref<64x128xf32, #tpu.memory_space<hbm>>)
    %dma_wait3A_146 = arith.constant 3 : i32
    %dma_wait3A_147 = arith.constant 0 : i32
    %dma_wait3A_148 = arith.constant 0 : i32
    %dma_wait3A_149 = tpu.memref_slice %arg6[%dma_wait3A_146, %dma_wait3A_147, %dma_wait3A_148] : memref<10x64x128xf32, #tpu.memory_space<vmem>> -> memref<1x64x128xf32, #tpu.memory_space<vmem>>
    %dma_wait3A_150 = tpu.memref_squeeze %dma_wait3A_149 : memref<1x64x128xf32, #tpu.memory_space<vmem>> -> memref<64x128xf32, #tpu.memory_space<vmem>>
    %dma_wait3A_151 = arith.constant 0 : i32
    %dma_wait3A_152 = tpu.memref_slice %arg4[%mul3A_2, %dma_wait3A_151] : memref<819200x128xf32, #tpu.memory_space<hbm>> -> memref<64x128xf32, #tpu.memory_space<hbm>>
    %dma_wait3A_153 = arith.constant 0 : i32
    %dma_wait3A_154 = tpu.memref_slice %arg4[%mul3A_2, %dma_wait3A_153] : memref<819200x128xf32, #tpu.memory_space<hbm>> -> memref<64x128xf32, #tpu.memory_space<hbm>>
    %dma_wait3A_155 = arith.constant 0 : i32
    %dma_wait3A_156 = arith.constant 0 : i32
    %dma_wait3A_157 = tpu.memref_slice %arg6[%dma_wait3A_146, %dma_wait3A_155, %dma_wait3A_156] : memref<10x64x128xf32, #tpu.memory_space<vmem>> -> memref<1x64x128xf32, #tpu.memory_space<vmem>>
    %dma_wait3A_158 = tpu.memref_squeeze %dma_wait3A_157 : memref<1x64x128xf32, #tpu.memory_space<vmem>> -> memref<64x128xf32, #tpu.memory_space<vmem>>
    tpu.wait_dma2 semaphore(%arg21 : memref<!tpu.dma_semaphore, #tpu.memory_space<semaphore_mem>>) src(%dma_wait3A_158 : memref<64x128xf32, #tpu.memory_space<vmem>>) dst(%dma_wait3A_154 : memref<64x128xf32, #tpu.memory_space<hbm>>)
    %dma_wait3A_159 = arith.constant 4 : i32
    %dma_wait3A_160 = arith.constant 0 : i32
    %dma_wait3A_161 = arith.constant 0 : i32
    %dma_wait3A_162 = tpu.memref_slice %arg6[%dma_wait3A_159, %dma_wait3A_160, %dma_wait3A_161] : memref<10x64x128xf32, #tpu.memory_space<vmem>> -> memref<1x64x128xf32, #tpu.memory_space<vmem>>
    %dma_wait3A_163 = tpu.memref_squeeze %dma_wait3A_162 : memref<1x64x128xf32, #tpu.memory_space<vmem>> -> memref<64x128xf32, #tpu.memory_space<vmem>>
    %dma_wait3A_164 = arith.constant 0 : i32
    %dma_wait3A_165 = tpu.memref_slice %arg4[%mul3A_2, %dma_wait3A_164] : memref<819200x128xf32, #tpu.memory_space<hbm>> -> memref<64x128xf32, #tpu.memory_space<hbm>>
    %dma_wait3A_166 = arith.constant 0 : i32
    %dma_wait3A_167 = tpu.memref_slice %arg4[%mul3A_2, %dma_wait3A_166] : memref<819200x128xf32, #tpu.memory_space<hbm>> -> memref<64x128xf32, #tpu.memory_space<hbm>>
    %dma_wait3A_168 = arith.constant 0 : i32
    %dma_wait3A_169 = arith.constant 0 : i32
    %dma_wait3A_170 = tpu.memref_slice %arg6[%dma_wait3A_159, %dma_wait3A_168, %dma_wait3A_169] : memref<10x64x128xf32, #tpu.memory_space<vmem>> -> memref<1x64x128xf32, #tpu.memory_space<vmem>>
    %dma_wait3A_171 = tpu.memref_squeeze %dma_wait3A_170 : memref<1x64x128xf32, #tpu.memory_space<vmem>> -> memref<64x128xf32, #tpu.memory_space<vmem>>
    tpu.wait_dma2 semaphore(%arg22 : memref<!tpu.dma_semaphore, #tpu.memory_space<semaphore_mem>>) src(%dma_wait3A_171 : memref<64x128xf32, #tpu.memory_space<vmem>>) dst(%dma_wait3A_167 : memref<64x128xf32, #tpu.memory_space<hbm>>)
    %dma_wait3A_172 = arith.constant 5 : i32
    %dma_wait3A_173 = arith.constant 0 : i32
    %dma_wait3A_174 = arith.constant 0 : i32
    %dma_wait3A_175 = tpu.memref_slice %arg6[%dma_wait3A_172, %dma_wait3A_173, %dma_wait3A_174] : memref<10x64x128xf32, #tpu.memory_space<vmem>> -> memref<1x64x128xf32, #tpu.memory_space<vmem>>
    %dma_wait3A_176 = tpu.memref_squeeze %dma_wait3A_175 : memref<1x64x128xf32, #tpu.memory_space<vmem>> -> memref<64x128xf32, #tpu.memory_space<vmem>>
    %dma_wait3A_177 = arith.constant 0 : i32
    %dma_wait3A_178 = tpu.memref_slice %arg4[%mul3A_2, %dma_wait3A_177] : memref<819200x128xf32, #tpu.memory_space<hbm>> -> memref<64x128xf32, #tpu.memory_space<hbm>>
    %dma_wait3A_179 = arith.constant 0 : i32
    %dma_wait3A_180 = tpu.memref_slice %arg4[%mul3A_2, %dma_wait3A_179] : memref<819200x128xf32, #tpu.memory_space<hbm>> -> memref<64x128xf32, #tpu.memory_space<hbm>>
    %dma_wait3A_181 = arith.constant 0 : i32
    %dma_wait3A_182 = arith.constant 0 : i32
    %dma_wait3A_183 = tpu.memref_slice %arg6[%dma_wait3A_172, %dma_wait3A_181, %dma_wait3A_182] : memref<10x64x128xf32, #tpu.memory_space<vmem>> -> memref<1x64x128xf32, #tpu.memory_space<vmem>>
    %dma_wait3A_184 = tpu.memref_squeeze %dma_wait3A_183 : memref<1x64x128xf32, #tpu.memory_space<vmem>> -> memref<64x128xf32, #tpu.memory_space<vmem>>
    tpu.wait_dma2 semaphore(%arg23 : memref<!tpu.dma_semaphore, #tpu.memory_space<semaphore_mem>>) src(%dma_wait3A_184 : memref<64x128xf32, #tpu.memory_space<vmem>>) dst(%dma_wait3A_180 : memref<64x128xf32, #tpu.memory_space<hbm>>)
    %dma_wait3A_185 = arith.constant 6 : i32
    %dma_wait3A_186 = arith.constant 0 : i32
    %dma_wait3A_187 = arith.constant 0 : i32
    %dma_wait3A_188 = tpu.memref_slice %arg6[%dma_wait3A_185, %dma_wait3A_186, %dma_wait3A_187] : memref<10x64x128xf32, #tpu.memory_space<vmem>> -> memref<1x64x128xf32, #tpu.memory_space<vmem>>
    %dma_wait3A_189 = tpu.memref_squeeze %dma_wait3A_188 : memref<1x64x128xf32, #tpu.memory_space<vmem>> -> memref<64x128xf32, #tpu.memory_space<vmem>>
    %dma_wait3A_190 = arith.constant 0 : i32
    %dma_wait3A_191 = tpu.memref_slice %arg4[%mul3A_2, %dma_wait3A_190] : memref<819200x128xf32, #tpu.memory_space<hbm>> -> memref<64x128xf32, #tpu.memory_space<hbm>>
    %dma_wait3A_192 = arith.constant 0 : i32
    %dma_wait3A_193 = tpu.memref_slice %arg4[%mul3A_2, %dma_wait3A_192] : memref<819200x128xf32, #tpu.memory_space<hbm>> -> memref<64x128xf32, #tpu.memory_space<hbm>>
    %dma_wait3A_194 = arith.constant 0 : i32
    %dma_wait3A_195 = arith.constant 0 : i32
    %dma_wait3A_196 = tpu.memref_slice %arg6[%dma_wait3A_185, %dma_wait3A_194, %dma_wait3A_195] : memref<10x64x128xf32, #tpu.memory_space<vmem>> -> memref<1x64x128xf32, #tpu.memory_space<vmem>>
    %dma_wait3A_197 = tpu.memref_squeeze %dma_wait3A_196 : memref<1x64x128xf32, #tpu.memory_space<vmem>> -> memref<64x128xf32, #tpu.memory_space<vmem>>
    tpu.wait_dma2 semaphore(%arg24 : memref<!tpu.dma_semaphore, #tpu.memory_space<semaphore_mem>>) src(%dma_wait3A_197 : memref<64x128xf32, #tpu.memory_space<vmem>>) dst(%dma_wait3A_193 : memref<64x128xf32, #tpu.memory_space<hbm>>)
    %dma_wait3A_198 = arith.constant 7 : i32
    %dma_wait3A_199 = arith.constant 0 : i32
    %dma_wait3A_200 = arith.constant 0 : i32
    %dma_wait3A_201 = tpu.memref_slice %arg6[%dma_wait3A_198, %dma_wait3A_199, %dma_wait3A_200] : memref<10x64x128xf32, #tpu.memory_space<vmem>> -> memref<1x64x128xf32, #tpu.memory_space<vmem>>
    %dma_wait3A_202 = tpu.memref_squeeze %dma_wait3A_201 : memref<1x64x128xf32, #tpu.memory_space<vmem>> -> memref<64x128xf32, #tpu.memory_space<vmem>>
    %dma_wait3A_203 = arith.constant 0 : i32
    %dma_wait3A_204 = tpu.memref_slice %arg4[%mul3A_2, %dma_wait3A_203] : memref<819200x128xf32, #tpu.memory_space<hbm>> -> memref<64x128xf32, #tpu.memory_space<hbm>>
    %dma_wait3A_205 = arith.constant 0 : i32
    %dma_wait3A_206 = tpu.memref_slice %arg4[%mul3A_2, %dma_wait3A_205] : memref<819200x128xf32, #tpu.memory_space<hbm>> -> memref<64x128xf32, #tpu.memory_space<hbm>>
    %dma_wait3A_207 = arith.constant 0 : i32
    %dma_wait3A_208 = arith.constant 0 : i32
    %dma_wait3A_209 = tpu.memref_slice %arg6[%dma_wait3A_198, %dma_wait3A_207, %dma_wait3A_208] : memref<10x64x128xf32, #tpu.memory_space<vmem>> -> memref<1x64x128xf32, #tpu.memory_space<vmem>>
    %dma_wait3A_210 = tpu.memref_squeeze %dma_wait3A_209 : memref<1x64x128xf32, #tpu.memory_space<vmem>> -> memref<64x128xf32, #tpu.memory_space<vmem>>
    tpu.wait_dma2 semaphore(%arg25 : memref<!tpu.dma_semaphore, #tpu.memory_space<semaphore_mem>>) src(%dma_wait3A_210 : memref<64x128xf32, #tpu.memory_space<vmem>>) dst(%dma_wait3A_206 : memref<64x128xf32, #tpu.memory_space<hbm>>)
    %dma_wait3A_211 = arith.constant 8 : i32
    %dma_wait3A_212 = arith.constant 0 : i32
    %dma_wait3A_213 = arith.constant 0 : i32
    %dma_wait3A_214 = tpu.memref_slice %arg6[%dma_wait3A_211, %dma_wait3A_212, %dma_wait3A_213] : memref<10x64x128xf32, #tpu.memory_space<vmem>> -> memref<1x64x128xf32, #tpu.memory_space<vmem>>
    %dma_wait3A_215 = tpu.memref_squeeze %dma_wait3A_214 : memref<1x64x128xf32, #tpu.memory_space<vmem>> -> memref<64x128xf32, #tpu.memory_space<vmem>>
    %dma_wait3A_216 = arith.constant 0 : i32
    %dma_wait3A_217 = tpu.memref_slice %arg4[%mul3A_2, %dma_wait3A_216] : memref<819200x128xf32, #tpu.memory_space<hbm>> -> memref<64x128xf32, #tpu.memory_space<hbm>>
    %dma_wait3A_218 = arith.constant 0 : i32
    %dma_wait3A_219 = tpu.memref_slice %arg4[%mul3A_2, %dma_wait3A_218] : memref<819200x128xf32, #tpu.memory_space<hbm>> -> memref<64x128xf32, #tpu.memory_space<hbm>>
    %dma_wait3A_220 = arith.constant 0 : i32
    %dma_wait3A_221 = arith.constant 0 : i32
    %dma_wait3A_222 = tpu.memref_slice %arg6[%dma_wait3A_211, %dma_wait3A_220, %dma_wait3A_221] : memref<10x64x128xf32, #tpu.memory_space<vmem>> -> memref<1x64x128xf32, #tpu.memory_space<vmem>>
    %dma_wait3A_223 = tpu.memref_squeeze %dma_wait3A_222 : memref<1x64x128xf32, #tpu.memory_space<vmem>> -> memref<64x128xf32, #tpu.memory_space<vmem>>
    tpu.wait_dma2 semaphore(%arg26 : memref<!tpu.dma_semaphore, #tpu.memory_space<semaphore_mem>>) src(%dma_wait3A_223 : memref<64x128xf32, #tpu.memory_space<vmem>>) dst(%dma_wait3A_219 : memref<64x128xf32, #tpu.memory_space<hbm>>)
    %dma_wait3A_224 = arith.constant 9 : i32
    %dma_wait3A_225 = arith.constant 0 : i32
    %dma_wait3A_226 = arith.constant 0 : i32
    %dma_wait3A_227 = tpu.memref_slice %arg6[%dma_wait3A_224, %dma_wait3A_225, %dma_wait3A_226] : memref<10x64x128xf32, #tpu.memory_space<vmem>> -> memref<1x64x128xf32, #tpu.memory_space<vmem>>
    %dma_wait3A_228 = tpu.memref_squeeze %dma_wait3A_227 : memref<1x64x128xf32, #tpu.memory_space<vmem>> -> memref<64x128xf32, #tpu.memory_space<vmem>>
    %dma_wait3A_229 = arith.constant 0 : i32
    %dma_wait3A_230 = tpu.memref_slice %arg4[%mul3A_2, %dma_wait3A_229] : memref<819200x128xf32, #tpu.memory_space<hbm>> -> memref<64x128xf32, #tpu.memory_space<hbm>>
    %dma_wait3A_231 = arith.constant 0 : i32
    %dma_wait3A_232 = tpu.memref_slice %arg4[%mul3A_2, %dma_wait3A_231] : memref<819200x128xf32, #tpu.memory_space<hbm>> -> memref<64x128xf32, #tpu.memory_space<hbm>>
    %dma_wait3A_233 = arith.constant 0 : i32
    %dma_wait3A_234 = arith.constant 0 : i32
    %dma_wait3A_235 = tpu.memref_slice %arg6[%dma_wait3A_224, %dma_wait3A_233, %dma_wait3A_234] : memref<10x64x128xf32, #tpu.memory_space<vmem>> -> memref<1x64x128xf32, #tpu.memory_space<vmem>>
    %dma_wait3A_236 = tpu.memref_squeeze %dma_wait3A_235 : memref<1x64x128xf32, #tpu.memory_space<vmem>> -> memref<64x128xf32, #tpu.memory_space<vmem>>
    tpu.wait_dma2 semaphore(%arg27 : memref<!tpu.dma_semaphore, #tpu.memory_space<semaphore_mem>>) src(%dma_wait3A_236 : memref<64x128xf32, #tpu.memory_space<vmem>>) dst(%dma_wait3A_232 : memref<64x128xf32, #tpu.memory_space<hbm>>)
    return
  }
}

</mosaic_0001>

<sc_bundles>
// kernel: _sc_gather.3.cloned.1.call-start
scs
__scs_entry_jumppad:
0x0: {  	(pc) =	sbr.rel $0x88, $3  }
0x1: {  	(tag) =	ssettag $0x0;
	lr =	simm.s32 $0x1  }
0x2: {  	[smem:$0x3F9F] =	sst lr;
	_ =	strace $0xD0000000  }
0x3: {  	_ = 	snop  }
0x4: {  	_ = 	snop  }
0x5: {  	_ = 	snop  }
0x6: {  	_ = 	snop  }
0x7: {  	_ = 	snop  }
__scs_overlays_trampoline_lowered:
0x8: {  	[smem:$0x3FAE] =	sst s0  }
0x9: {  	[smem:$0x3FAF] =	sst s1  }
0xa: {  	[smem:$0x3FB0] =	sst s2  }
0xb: {  	[smem:$0x3FB1] =	sst s3  }
0xc: {  	[smem:$0x3FB2] =	sst s4  }
0xd: {  	[smem:$0x3FB3] =	sst s5  }
0xe: {  	[smem:$0x3FB4] =	sst s6  }
0xf: {  	[smem:$0x3FB5] =	sst s7  }
0x10: {  	[smem:$0x3FB6] =	sst s8  }
0x11: {  	[smem:$0x3FB7] =	sst s9;
	s0 =	simm.s32 @!p0 $0x0  }
0x12: {  	s1 =	sld [smem:$0x3F9D];
	s0 =	simm.s32 @p0 $0x1  }
0x13: {  	[smem:$0x3FB8] =	sst s0;
	s0 =	simm.s32 @!p1 $0x0  }
0x14: {  	s2 =	sld [smem:$0x3F9C];
	s0 =	simm.s32 @p1 $0x1  }
0x15: {  	[smem:$0x3FB9] =	sst s0;
	s0 =	simm.s32 @!p2 $0x0  }
0x16: {  	s3 =	sld [smem:$0x3FDB];
	s0 =	simm.s32 @p2 $0x1  }
0x17: {  	s4 =	simm.s32 $0x1BF5;
	[smem:$0x3FBB] =	sst s0  }
0x18: {  	s0 =	sld [smem:$0x3F9E];
	_ =	swait.ge [sflag:s4], $0x0  }
0x19: {  	s7 =	sld [smem:$0x3F9F]  }
0x1a: {  	s8 =	sadd.s32 $0xFFFFE003, lr  }
0x1b: {  	s9 =	sadd.s32 $0xFFFFFEF7, lr;
	s5 =	simm.s32 $0xFFFFFFFF;
	p2 =	slt.u32 s8, $0xFFFFF086  }
0x1c: {  	p1 =	slt.u32 s9, $0xF7A;
	s5 =	simm.s32 @!p2 $0x0  }
0x1d: {  	s5 =	simm.s32 @p1 $0x1;
	p0 =	seq.s32 s7, s2  }
0x1e: {  	s7 =	smul.u32 @!p0 $0xF7A, s2;
	p2 =	seq.s32 @!p0 s5, $0x0  }
0x1f: {  	s9 =	smul.u32 $0xF7A, s1;
	s8 =	simm.s32 @!p0 $0x1BF5;
	p2 =	por !p2, p0  }
0x20: {  	[sflag:s8] =	ssyncset.s32 @!p0 $0xFFFFF086;
	s6 =	sadd.s32 @!p0 s3, s7;
	s7 =	simm.s32 @!p0 $0x108  }
0x21: {  	s3 =	sadd.s32 s3, s9;
	s6 =	sadd.s32 @!p0 $0x88, s6;
	s7 =	simm.s32 @p2 $0x1082  }
0x22: {  	[simem:s7], [sflag:s8] =	dma.local @!p0 [hbm:s6], $0xF7A  }
0x23: {  	s9 =	sor.u32 $0xD0000000, s2;
	s6 =	simm.s32 $0x108;
	_ =	swait.ge @!p0 [sflag:s8], $0x0  }
0x24: {  	s3 =	sadd.s32 $0x88, s3;
	s6 =	simm.s32 @!p1 $0x1082;
	[sflag:s4] =	ssyncset.s32 $0xFFFFF086  }
0x25: {  	[simem:s6], [sflag:s4] =	dma.local [hbm:s3], $0xF7A  }
0x26: {  	[smem:$0x3F9F] =	sst s1;
	(tag) =	ssettag s2;
	_ =	strace s9  }
0x27: {  	s1 =	sld [smem:$0x3FAF]  }
0x28: {  	s2 =	sld [smem:$0x3FB0]  }
0x29: {  	s4 =	sld [smem:$0x3FB2]  }
0x2a: {  	p0 =	seq.s32 s5, $0x0;
	s5 =	sld [smem:$0x3FB3]  }
0x2b: {  	s6 =	sld [smem:$0x3FB4]  }
0x2c: {  	s7 =	sld [smem:$0x3FB5]  }
0x2d: {  	s3 =	simm.s32 $0x108;
	s8 =	sld [smem:$0x3FB6]  }
0x2e: {  	s3 =	simm.s32 @!p0 $0x1082;
	s9 =	sld [smem:$0x3FB7]  }
0x2f: {  	lr =	sadd.s32 s0, s3;
	s0 =	sld [smem:$0x3FAE]  }
0x30: {  	s3 =	sld [smem:$0x3FB1]  }
0x31: {  	[smem:$0x3FBA] =	sst s10  }
0x32: {  	s10 =	sld [smem:$0x3FB8];
	_ =	sdelay $0x3  }
0x33: {  	p0 =	seq.s32 s10, $0x1;
	s10 =	sld [smem:$0x3FBA];
	_ =	sdelay $0x3  }
0x34: {  	[smem:$0x3FBA] =	sst s10  }
0x35: {  	s10 =	sld [smem:$0x3FB9];
	_ =	sdelay $0x3  }
0x36: {  	p1 =	seq.s32 s10, $0x1;
	s10 =	sld [smem:$0x3FBA];
	_ =	sdelay $0x3  }
0x37: {  	[smem:$0x3FBA] =	sst s10  }
0x38: {  	s10 =	sld [smem:$0x3FBB]  }
0x39: {  	_ = 	snop;
	(pc) =	sbr.ind lr, $3  }
0x3a: {  	_ = 	snop  }
0x3b: {  	_ = 	snop  }
0x3c: {  	p2 =	seq.s32 s10, $0x1;
	s10 =	sld [smem:$0x3FBA]  }
0x3d: {  	_ =	shalt  }
0x3e: {  	_ =	shalt  }
0x3f: {  	_ =	shalt  }
0x40: {  	_ =	shalt  }
0x41: {  	_ =	shalt  }
0x42: {  	_ =	shalt  }
0x43: {  	_ =	shalt  }
0x44: {  	_ =	shalt  }
0x45: {  	_ =	shalt  }
0x46: {  	_ =	shalt  }
0x47: {  	_ =	shalt  }
0x48: {  	_ =	shalt  }
0x49: {  	_ =	shalt  }
0x4a: {  	_ =	shalt  }
0x4b: {  	_ =	shalt  }
0x4c: {  	_ =	shalt  }
0x4d: {  	_ =	shalt  }
0x4e: {  	_ =	shalt  }
0x4f: {  	_ =	shalt  }
0x50: {  	_ =	shalt  }
0x51: {  	_ =	shalt  }
0x52: {  	_ =	shalt  }
0x53: {  	_ =	shalt  }
0x54: {  	_ =	shalt  }
0x55: {  	_ =	shalt  }
0x56: {  	_ =	shalt  }
0x57: {  	_ =	shalt  }
0x58: {  	_ =	shalt  }
0x59: {  	_ =	shalt  }
0x5a: {  	_ =	shalt  }
0x5b: {  	_ =	shalt  }
0x5c: {  	_ =	shalt  }
0x5d: {  	_ =	shalt  }
0x5e: {  	_ =	shalt  }
0x5f: {  	_ =	shalt  }
0x60: {  	_ =	shalt  }
0x61: {  	_ =	shalt  }
0x62: {  	_ =	shalt  }
0x63: {  	_ =	shalt  }
0x64: {  	_ =	shalt  }
0x65: {  	_ =	shalt  }
0x66: {  	_ =	shalt  }
0x67: {  	_ =	shalt  }
0x68: {  	_ =	shalt  }
0x69: {  	_ =	shalt  }
0x6a: {  	_ =	shalt  }
0x6b: {  	_ =	shalt  }
0x6c: {  	_ =	shalt  }
0x6d: {  	_ =	shalt  }
0x6e: {  	_ =	shalt  }
0x6f: {  	_ =	shalt  }
0x70: {  	_ =	shalt  }
0x71: {  	_ =	shalt  }
0x72: {  	_ =	shalt  }
0x73: {  	_ =	shalt  }
0x74: {  	_ =	shalt  }
0x75: {  	_ =	shalt  }
0x76: {  	_ =	shalt  }
0x77: {  	_ =	shalt  }
0x78: {  	_ =	shalt  }
0x79: {  	_ =	shalt  }
0x7a: {  	_ =	shalt  }
0x7b: {  	_ =	shalt  }
0x7c: {  	_ =	shalt  }
0x7d: {  	_ =	shalt  }
0x7e: {  	_ =	shalt  }
0x7f: {  	_ =	shalt  }
0x80: {  	_ =	shalt  }
0x81: {  	_ =	shalt  }
0x82: {  	_ =	shalt  }
0x83: {  	_ =	shalt  }
0x84: {  	_ =	shalt  }
0x85: {  	_ =	shalt  }
0x86: {  	_ =	shalt  }
0x87: {  	_ =	shalt  }
.Lfunc_end0:
.L_simem_size_0:
called_computation_lowered:
.L_overlay_start_0:
0x88: {  	s2 =	sld [smem:$0x3FD9]  }
0x89: {  	s3 =	sld [smem:$0x3FFE];
	_ =	sdelay $0x1  }
0x8a: {  	s1 =	srdreg.scid  }
0x8b: {  	s0 =	sand.u32 $0x1, s1  }
0x8c: {  	s18 =	sshll.u32 s0, $0xA;
	s2 =	sadd.s32 s3, s2  }
0x8d: {  	s2 =	sadd.s32 s2, s18  }
0x8e: {  	[smem:$0x3FC6] =	sst s2  }
0x8f: {  	_ = 	snop  }
0x90: {  	s2 =	sld [smem:$0x3FC9]  }
0x91: {  	s19 =	sld [smem:$0x3FC8]  }
0x92: {  	s4 =	sld [smem:$0x3FD0];
	(tm) =	ssettm $0x1  }
0x93: {  	s5 =	sld [smem:$0x3FFB];
	_ =	sdelay $0x3  }
0x94: {  	_ =	strace s5  }
0x95: {  	s5 =	sld [smem:$0x3FFC];
	_ =	sdelay $0x3  }
0x96: {  	_ =	strace s5  }
0x97: {  	s5 =	sld [smem:$0x3FFD];
	_ =	sdelay $0x3  }
0x98: {  	_ =	strace s5  }
0x99: {  	_ =	strace $0x8FFFFFFF  }
0x9a: {  	s20 =	sld [smem:$0x3FDB];
	_ =	sdelay $0x1  }
0x9b: {  	s6 =	simm.s32 $_scs_section_size  }
0x9c: {  	s7 =	simm.s32 $_size__tile_overlayer_lowered;
	s8 =	simm.s32 $_tile_overlayer_lowered  }
0x9d: {  	s23 =	simm.s32 $0x1BFF;
	s22 =	sshll.u32 s8, $0x1;
	s5 =	sadd.s32 s6, s20  }
0x9e: {  	s9 =	simm.s32 $0x0;
	s21 =	sshll.u32 s7, $0x1;
	s7 =	sadd.s32 s22, s5  }
0x9f: {  	[timem:s9], [sflag:s23] =	dma.local [hbm:s7], s21  }
0xa0: {  	_ =	swait.ge [sflag:s23], s21  }
0xa1: {  	s6 =	ssub.s32 $0x0, s21;
	[sflag:s23] =	ssyncset.done $0x0  }
0xa2: {  	[sflag:s23] =	ssyncadd.s32 s6;
	_ =	sdelay $0x1  }
0xa3: {  	s24 =	simm.s32 $0x1B8B  }
0xa4: {  	_ =	swait.ge [sflag:s24], $0x1  }
0xa5: {  	[sflag:s24] =	ssyncset.done $0x0  }
0xa6: {  	s25 =	simm.s32 $0x1B8E;
	[sflag:s24] =	ssyncadd.s32 $0xFFFFFFFF  }
0xa7: {  	s26 =	simm.s32 $execute0_lowered;
	[smem:$0x3FD2] =	sst s25  }
0xa8: {  	s6 =	sshll.u32 s26, $0x1;
	_ =	strace $0x80000046;
	[dreg:$0x1] =	wrdreg $0xFFFFFFFF  }
0xa9: {  	s28 =	simm.s32 $_size_execute0_lowered;
	s5 =	sadd.s32 s5, s6;
	[dreg:$0x0] =	wrdreg $0x0  }
0xaa: {  	s6 =	sshll.u32 s28, $0x1;
	[dreg:$0x2] =	wrdreg s5  }
0xab: {  	[dreg:$0x3] =	wrdreg s6  }
0xac: {  	[dreg:$0x4] =	wrdreg $0xC0  }
0xad: {  	_ =	task [dreg:s9], $0x5FFFF  }
0xae: {  	[dreg:$0x1] =	wrdreg $0xFFFFFFFF  }
0xaf: {  	[dreg:$0x0] =	wrdreg $0x60  }
0xb0: {  	[dreg:$0x2] =	wrdreg s2  }
0xb1: {  	[dreg:$0x3] =	wrdreg s19  }
0xb2: {  	[dreg:$0x4] =	wrdreg s4  }
0xb3: {  	[dreg:$0x5] =	wrdreg $0x1A4000  }
0xb4: {  	[dreg:$0x6] =	wrdreg $0x9  }
0xb5: {  	_ =	task.clear_ibuf [dreg:s9], $0x7FFFF;
	_ =	strace $0x90000046  }
0xb6: {  	s29 =	simm.s32 $0x9;
	_ =	strace $0x80000048  }
0xb7: {  	_ =	swait.ge [sflag:s29], $0x1  }
0xb8: {  	[sflag:s29] =	ssyncadd.s32 $0xFFFFFFFF  }
0xb9: {  	_ =	strace $0x90000048  }
0xba: {  	_ =	sfence  }
0xbb: {  	s30 =	sld [smem:$0x0];
	_ =	sdelay $0x2  }
0xbc: {  	s31 =	sshll.u32 s1, $0xD;
	s1 =	sshrl.u32 s1, $0x2  }
0xbd: {  	s3 =	sand.u32 $0x4000, s31;
	s1 =	sadd.s32 s1, s30  }
0xbe: {  	s0 =	sor.u32 s3, s0;
	s1 =	sshll.u32 s1, $0x11  }
0xbf: {  	s0 =	sor.u32 s1, s0  }
0xc0: {  	s0 =	sadd.s32 $0x8F2B, s0  }
0xc1: {  	[sflag:s0] =	ssyncadd.remote.s32 $0x1  }
0xc2: {  	_ =	sfence.sel $0xFFFF  }
0xc3: {  	[dreg:$0x0] =	wrdreg $0xFFFFFFFF;
	(pc) =	sbr.abs _section_cstart, $3  }
0xc4: {  	[dreg:$0x1] =	wrdreg $0xFFFFFFFF  }
0xc5: {  	_ =	task.clear_ibuf [dreg:s9], $0x2FFFF;
	_ =	strace $0x9FFFFFFF  }
0xc6: {  	(tm) =	ssettm $0x7FFFFFFF  }
0xc7: {  	_ =	shalt  }
tec
execute0_lowered:
.L_overlay_start_1:
0x0: {  	(tag) =	ssettag $0x1  }
0x1: {  	s0 =	rddreg [dreg:$0x0];
	s1 =	srdreg.scid  }
0x2: {  	s4 =	stileid.u32;
	s5 =	rddreg [dreg:$0x2]  }
0x3: {  	s2 =	rddreg [dreg:$0x3];
	s10 =	simm.s32 $0x6400;
	s11 =	simm.s32 $0x8400  }
0x4: {  	s13 =	simm.s32 $0xA400;
	s15 =	simm.s32 $0xC400;
	s17 =	simm.s32 $0xE400  }
0x5: {  	s19 =	simm.s32 $0x10400;
	s21 =	simm.s32 $0x12400;
	s23 =	simm.s32 $0x14400  }
0x6: {  	s28 =	simm.s32 $0x18400;
	s29 =	simm.s32 $0x1;
	s30 =	simm.s32 $0x2  }
0x7: {  	s31 =	simm.s32 $0x3;
	s12 =	simm.s32 $0x6;
	s14 =	simm.s32 $0x7  }
0x8: {  	s16 =	simm.s32 $0x8;
	s18 =	simm.s32 $0x9;
	s20 =	simm.s32 $0xA  }
0x9: {  	s1 =	sand.u32 $0x1, s1;
	s3 =	sshll.u32 s4, $0x1;
	s7 =	smul.u32 $0xC8000, s4  }
0xa: {  	s6 =	sor.u32 s1, s3;
	s8 =	ssub.s32 $0x2, s1;
	s1 =	smul.u32 $0x64000, s1  }
0xb: {  	p0 =	sne.s32 s4, $0x0;
	s3 =	simm.s32 $0x0;
	s6 =	smul.u32 $0x6400, s6  }
0xc: {  	[smem:$0x7FF] =	sst s3;
	s9 =	sshrl.u32 s8, $0x1;
	s5 =	sadd.s32 s7, s5  }
0xd: {  	_ =	strace $0x80000047;
	s24 =	ssub.s32 s8, s9;
	s25 =	sadd.s32 s1, s5  }
0xe: {  	s9 =	simm.s32 $0x40;
	s6 =	sshrl.u32 s6, $0x3;
	s26 =	smax.u32 s24, $0x1  }
0xf: {  	s1 =	simm.s32 $0x4;
	s0 =	sadd.s32 s0, s6;
	[dreg:$0x6] =	wrdreg s26  }
0x10: {  	s24 =	simm.s32 $0x14;
	[dreg:$0x5] =	wrdreg s0;
	s0 =	sadd.s32 $0x2400, s25  }
0x11: {  	s26 =	simm.s32 $0x0;
	[dreg:$0x7] =	wrdreg s0;
	s0 =	sshrl.u32 @!p0 s2, $0x3  }
0x12: {  	s25 =	simm.s32 $0x16400;
	[dreg:$0x8] =	wrdreg s0;
	s0 =	simm.s32 $0x5  }
.LBB2_1:
0x13: {  	s5 =	rddreg [dreg:$0x1]  }
0x14: {  	s4 =	simm.s32 @!p0 $0x1C15;
	s6 =	rddreg [dreg:$0x8]  }
0x15: {  	[spmem:s6], [sflag:s4] =	dma.local @!p0 [hbm:s5], $0x3E80  }
0x16: {  	s4 =	simm.s32 @!p0 $0x15  }
0x17: {  	_ =	swait.ge @!p0 [sflag:s4], $0x3E80  }
0x18: {  	[sflag:s4] =	ssyncset.done @!p0 $0x0  }
0x19: {  	s6 =	simm.s32 $0x15;
	s5 =	rddreg [dreg:$0x5];
	[sflag:s4] =	ssyncadd.s32 @!p0 $0xFFFFC180  }
0x1a: {  	[tilespmem:s3], [sflag:$0x15] =	stream.linear.gather [hbm4b:s5+s3], $0x6400, $0x38;
	[tilespmem:$0x1C340] =	vst v63  }
0x1b: {  	_ =	swait.ge [sflag:s6], $0x6400  }
0x1c: {  	[sflag:s6] =	ssyncset.done $0x0  }
0x1d: {  	[sflag:s6] =	ssyncadd.s32 $0xFFFF9C00  }
0x1e: {  	[bflag:$0x0] =	sbarrier.arrive $0xFFFF  }
0x1f: {  	[tilespmem:s10], [sflag:$0x1] =	stream.indirect.gather [spmem:s2], $0x80, s3, s9, $0xb8;
	[tilespmem:$0x1C340] =	vst v63  }
0x20: {  	_ = 	snop  }
0x21: {  	[tilespmem:s11], [sflag:$0x2] =	stream.indirect.gather [spmem:s2], $0x80, s9, s9, $0xb8;
	[tilespmem:$0x1C340] =	vst v63  }
0x22: {  	s7 =	simm.s32 $0x80  }
0x23: {  	[tilespmem:s13], [sflag:$0x3] =	stream.indirect.gather [spmem:s2], $0x80, s7, s9, $0xb8;
	[tilespmem:$0x1C340] =	vst v63  }
0x24: {  	s8 =	simm.s32 $0xC0  }
0x25: {  	[tilespmem:s15], [sflag:$0x4] =	stream.indirect.gather [spmem:s2], $0x80, s8, s9, $0xb8;
	[tilespmem:$0x1C340] =	vst v63  }
0x26: {  	s22 =	simm.s32 $0x100  }
0x27: {  	[tilespmem:s17], [sflag:$0x5] =	stream.indirect.gather [spmem:s2], $0x80, s22, s9, $0xb8;
	[tilespmem:$0x1C340] =	vst v63  }
0x28: {  	s5 =	simm.s32 $0x140  }
0x29: {  	[tilespmem:s19], [sflag:$0x6] =	stream.indirect.gather [spmem:s2], $0x80, s5, s9, $0xb8;
	[tilespmem:$0x1C340] =	vst v63  }
0x2a: {  	s6 =	simm.s32 $0x180  }
0x2b: {  	[tilespmem:s21], [sflag:$0x7] =	stream.indirect.gather [spmem:s2], $0x80, s6, s9, $0xb8;
	[tilespmem:$0x1C340] =	vst v63  }
0x2c: {  	s7 =	simm.s32 $0x1C0  }
0x2d: {  	[tilespmem:s23], [sflag:$0x8] =	stream.indirect.gather [spmem:s2], $0x80, s7, s9, $0xb8;
	[tilespmem:$0x1C340] =	vst v63  }
0x2e: {  	s8 =	simm.s32 $0x200  }
0x2f: {  	[tilespmem:s25], [sflag:$0x9] =	stream.indirect.gather [spmem:s2], $0x80, s8, s9, $0xb8;
	[tilespmem:$0x1C340] =	vst v63  }
0x30: {  	s4 =	rddreg [dreg:$0x7];
	s22 =	simm.s32 $0x240;
	s5 =	simm.s32 $0x0  }
0x31: {  	[tilespmem:s28], [sflag:$0xA] =	stream.indirect.gather [spmem:s2], $0x80, s22, s9, $0xb8;
	[tilespmem:$0x1C340] =	vst v63  }
.LBB2_2:
0x32: {  	_ =	swait.ge [sflag:s29], $0x2000  }
0x33: {  	[sflag:s29] =	ssyncset.done $0x0  }
0x34: {  	s6 =	sadd.s32 $0xFFFFDC00, s4;
	[sflag:s29] =	ssyncadd.s32 $0xFFFFE000  }
0x35: {  	[hbm4b:s6+s3] =	stream.linear.scatter [tilespmem:s10], [sflag:$0xB], $0x2000, $0x38;
	[tilespmem:$0x1C340] =	vst v63  }
0x36: {  	_ =	swait.ge [sflag:s30], $0x2000  }
0x37: {  	[sflag:s30] =	ssyncset.done $0x0  }
0x38: {  	s8 =	sadd.s32 $0xFFFFE000, s4;
	[sflag:s30] =	ssyncadd.s32 $0xFFFFE000  }
0x39: {  	[hbm4b:s8+s3] =	stream.linear.scatter [tilespmem:s11], [sflag:$0xC], $0x2000, $0x38;
	[tilespmem:$0x1C340] =	vst v63  }
0x3a: {  	_ =	swait.ge [sflag:s31], $0x2000  }
0x3b: {  	[sflag:s31] =	ssyncset.done $0x0  }
0x3c: {  	s22 =	sadd.s32 $0xFFFFE400, s4;
	[sflag:s31] =	ssyncadd.s32 $0xFFFFE000  }
0x3d: {  	[hbm4b:s22+s3] =	stream.linear.scatter [tilespmem:s13], [sflag:$0xD], $0x2000, $0x38;
	[tilespmem:$0x1C340] =	vst v63  }
0x3e: {  	_ =	swait.ge [sflag:s1], $0x2000  }
0x3f: {  	[sflag:s1] =	ssyncset.done $0x0  }
0x40: {  	s7 =	sadd.s32 $0xFFFFE800, s4;
	[sflag:s1] =	ssyncadd.s32 $0xFFFFE000  }
0x41: {  	[hbm4b:s7+s3] =	stream.linear.scatter [tilespmem:s15], [sflag:$0xE], $0x2000, $0x38;
	[tilespmem:$0x1C340] =	vst v63  }
0x42: {  	_ =	swait.ge [sflag:s0], $0x2000  }
0x43: {  	[sflag:s0] =	ssyncset.done $0x0  }
0x44: {  	s8 =	sadd.s32 $0xFFFFEC00, s4;
	[sflag:s0] =	ssyncadd.s32 $0xFFFFE000  }
0x45: {  	[hbm4b:s8+s3] =	stream.linear.scatter [tilespmem:s17], [sflag:$0xF], $0x2000, $0x38;
	[tilespmem:$0x1C340] =	vst v63  }
0x46: {  	_ =	swait.ge [sflag:s12], $0x2000  }
0x47: {  	[sflag:s12] =	ssyncset.done $0x0  }
0x48: {  	s22 =	sadd.s32 $0xFFFFF000, s4;
	[sflag:s12] =	ssyncadd.s32 $0xFFFFE000  }
0x49: {  	[hbm4b:s22+s3] =	stream.linear.scatter [tilespmem:s19], [sflag:$0x10], $0x2000, $0x38;
	[tilespmem:$0x1C340] =	vst v63  }
0x4a: {  	_ =	swait.ge [sflag:s14], $0x2000  }
0x4b: {  	[sflag:s14] =	ssyncset.done $0x0  }
0x4c: {  	s7 =	sadd.s32 $0xFFFFF400, s4;
	[sflag:s14] =	ssyncadd.s32 $0xFFFFE000  }
0x4d: {  	[hbm4b:s7+s3] =	stream.linear.scatter [tilespmem:s21], [sflag:$0x11], $0x2000, $0x38;
	[tilespmem:$0x1C340] =	vst v63  }
0x4e: {  	_ =	swait.ge [sflag:s16], $0x2000  }
0x4f: {  	[sflag:s16] =	ssyncset.done $0x0  }
0x50: {  	s8 =	sadd.s32 $0xFFFFF800, s4;
	[sflag:s16] =	ssyncadd.s32 $0xFFFFE000  }
0x51: {  	[hbm4b:s8+s3] =	stream.linear.scatter [tilespmem:s23], [sflag:$0x12], $0x2000, $0x38;
	[tilespmem:$0x1C340] =	vst v63  }
0x52: {  	_ =	swait.ge [sflag:s18], $0x2000  }
0x53: {  	[sflag:s18] =	ssyncset.done $0x0  }
0x54: {  	s22 =	sadd.s32 $0xFFFFFC00, s4;
	[sflag:s18] =	ssyncadd.s32 $0xFFFFE000  }
0x55: {  	[hbm4b:s22+s3] =	stream.linear.scatter [tilespmem:s25], [sflag:$0x13], $0x2000, $0x38;
	[tilespmem:$0x1C340] =	vst v63  }
0x56: {  	_ =	swait.ge [sflag:s20], $0x2000  }
0x57: {  	p1 =	seq.s32 s5, $0x18600;
	[sflag:s20] =	ssyncset.done $0x0  }
0x58: {  	s6 =	simm.s32 @!p1 $0xB;
	[sflag:s20] =	ssyncadd.s32 $0xFFFFE000  }
0x59: {  	[hbm4b:s4+s3] =	stream.linear.scatter [tilespmem:s28], [sflag:$0x14], $0x2000, $0x38;
	[tilespmem:$0x1C340] =	vst v63  }
0x5a: {  	s7 =	sshra.s32 @!p1 s5, $0x2;
	_ =	swait.ge @!p1 [sflag:s6], $0x2000  }
0x5b: {  	s8 =	sadd.s32 @!p1 $0x280, s7;
	[sflag:s6] =	ssyncset.done @!p1 $0x0  }
0x5c: {  	s22 =	simm.s32 @!p1 $0x6400;
	[sflag:s6] =	ssyncadd.s32 @!p1 $0xFFFFE000;
	s6 =	simm.s32 @!p1 $0x40  }
0x5d: {  	[tilespmem:s22], [sflag:$0x1] =	stream.indirect.gather @!p1 [spmem:s2], $0x80, s8, s6, $0xb8;
	[tilespmem:$0x1C340] =	vst v63  }
0x5e: {  	s8 =	simm.s32 @!p1 $0xC  }
0x5f: {  	_ =	swait.ge @!p1 [sflag:s8], $0x2000  }
0x60: {  	[sflag:s8] =	ssyncset.done @!p1 $0x0  }
0x61: {  	s22 =	simm.s32 @!p1 $0x8400;
	[sflag:s8] =	ssyncadd.s32 @!p1 $0xFFFFE000;
	s8 =	sadd.s32 @!p1 $0x2C0, s7  }
0x62: {  	[tilespmem:s22], [sflag:$0x2] =	stream.indirect.gather @!p1 [spmem:s2], $0x80, s8, s6, $0xb8;
	[tilespmem:$0x1C340] =	vst v63  }
0x63: {  	s8 =	simm.s32 @!p1 $0xD  }
0x64: {  	_ =	swait.ge @!p1 [sflag:s8], $0x2000  }
0x65: {  	[sflag:s8] =	ssyncset.done @!p1 $0x0  }
0x66: {  	s22 =	simm.s32 @!p1 $0xA400;
	[sflag:s8] =	ssyncadd.s32 @!p1 $0xFFFFE000;
	s8 =	sadd.s32 @!p1 $0x300, s7  }
0x67: {  	[tilespmem:s22], [sflag:$0x3] =	stream.indirect.gather @!p1 [spmem:s2], $0x80, s8, s6, $0xb8;
	[tilespmem:$0x1C340] =	vst v63  }
0x68: {  	s8 =	simm.s32 @!p1 $0xE  }
0x69: {  	_ =	swait.ge @!p1 [sflag:s8], $0x2000  }
0x6a: {  	[sflag:s8] =	ssyncset.done @!p1 $0x0  }
0x6b: {  	s22 =	simm.s32 @!p1 $0xC400;
	[sflag:s8] =	ssyncadd.s32 @!p1 $0xFFFFE000;
	s8 =	sadd.s32 @!p1 $0x340, s7  }
0x6c: {  	[tilespmem:s22], [sflag:$0x4] =	stream.indirect.gather @!p1 [spmem:s2], $0x80, s8, s6, $0xb8;
	[tilespmem:$0x1C340] =	vst v63  }
0x6d: {  	s8 =	simm.s32 @!p1 $0xF  }
0x6e: {  	_ =	swait.ge @!p1 [sflag:s8], $0x2000  }
0x6f: {  	[sflag:s8] =	ssyncset.done @!p1 $0x0  }
0x70: {  	s22 =	simm.s32 @!p1 $0xE400;
	[sflag:s8] =	ssyncadd.s32 @!p1 $0xFFFFE000;
	s8 =	sadd.s32 @!p1 $0x380, s7  }
0x71: {  	[tilespmem:s22], [sflag:$0x5] =	stream.indirect.gather @!p1 [spmem:s2], $0x80, s8, s6, $0xb8;
	[tilespmem:$0x1C340] =	vst v63  }
0x72: {  	s8 =	simm.s32 @!p1 $0x10  }
0x73: {  	_ =	swait.ge @!p1 [sflag:s8], $0x2000  }
0x74: {  	[sflag:s8] =	ssyncset.done @!p1 $0x0  }
0x75: {  	s22 =	simm.s32 @!p1 $0x10400;
	[sflag:s8] =	ssyncadd.s32 @!p1 $0xFFFFE000;
	s8 =	sadd.s32 @!p1 $0x3C0, s7  }
0x76: {  	[tilespmem:s22], [sflag:$0x6] =	stream.indirect.gather @!p1 [spmem:s2], $0x80, s8, s6, $0xb8;
	[tilespmem:$0x1C340] =	vst v63  }
0x77: {  	s8 =	simm.s32 @!p1 $0x11  }
0x78: {  	_ =	swait.ge @!p1 [sflag:s8], $0x2000  }
0x79: {  	[sflag:s8] =	ssyncset.done @!p1 $0x0  }
0x7a: {  	s22 =	simm.s32 @!p1 $0x12400;
	[sflag:s8] =	ssyncadd.s32 @!p1 $0xFFFFE000;
	s8 =	sadd.s32 @!p1 $0x400, s7  }
0x7b: {  	[tilespmem:s22], [sflag:$0x7] =	stream.indirect.gather @!p1 [spmem:s2], $0x80, s8, s6, $0xb8;
	[tilespmem:$0x1C340] =	vst v63  }
0x7c: {  	s8 =	simm.s32 @!p1 $0x12  }
0x7d: {  	_ =	swait.ge @!p1 [sflag:s8], $0x2000  }
0x7e: {  	[sflag:s8] =	ssyncset.done @!p1 $0x0  }
0x7f: {  	s22 =	simm.s32 @!p1 $0x14400;
	[sflag:s8] =	ssyncadd.s32 @!p1 $0xFFFFE000;
	s8 =	sadd.s32 @!p1 $0x440, s7  }
0x80: {  	[tilespmem:s22], [sflag:$0x8] =	stream.indirect.gather @!p1 [spmem:s2], $0x80, s8, s6, $0xb8;
	[tilespmem:$0x1C340] =	vst v63  }
0x81: {  	s5 =	sadd.s32 @!p1 $0xA00, s5;
	s8 =	simm.s32 @!p1 $0x13  }
0x82: {  	p2 =	sne.s32 @!p1 s5, $0x19000;
	_ =	swait.ge @!p1 [sflag:s8], $0x2000  }
0x83: {  	p2 =	por p1, !p2;
	[sflag:s8] =	ssyncset.done @!p1 $0x0  }
0x84: {  	s22 =	simm.s32 @!p1 $0x16400;
	[sflag:s8] =	ssyncadd.s32 @!p1 $0xFFFFE000;
	s8 =	sadd.s32 @!p1 $0x480, s7  }
0x85: {  	[tilespmem:s22], [sflag:$0x9] =	stream.indirect.gather @!p1 [spmem:s2], $0x80, s8, s6, $0xb8;
	[tilespmem:$0x1C340] =	vst v63  }
.Ltmp0:
0x86: {  	s8 =	simm.s32 @!p1 $0x14;
	(pc) =	sbr.rel @!p2 .LBB2_2-.Ltmp0, $4  }
0x87: {  	_ =	swait.ge @!p1 [sflag:s8], $0x2000  }
0x88: {  	s4 =	sadd.s32 @!p1 $0x2800, s4;
	[sflag:s8] =	ssyncset.done @!p1 $0x0  }
0x89: {  	s7 =	sadd.s32 @!p1 $0x4C0, s7;
	[sflag:s8] =	ssyncadd.s32 @!p1 $0xFFFFE000;
	s8 =	simm.s32 @!p1 $0x18400  }
0x8a: {  	[tilespmem:s8], [sflag:$0xA] =	stream.indirect.gather @!p1 [spmem:s2], $0x80, s7, s6, $0xb8;
	[tilespmem:$0x1C340] =	vst v63  }
0x8b: {  	s4 =	simm.s32 $0xB  }
0x8c: {  	_ =	swait.ge [sflag:s4], $0x2000  }
0x8d: {  	[sflag:s4] =	ssyncset.done $0x0  }
0x8e: {  	s6 =	simm.s32 $0xC;
	[sflag:s4] =	ssyncadd.s32 $0xFFFFE000  }
0x8f: {  	_ =	swait.ge [sflag:s6], $0x2000  }
0x90: {  	[sflag:s6] =	ssyncset.done $0x0  }
0x91: {  	s7 =	simm.s32 $0xD;
	[sflag:s6] =	ssyncadd.s32 $0xFFFFE000  }
0x92: {  	_ =	swait.ge [sflag:s7], $0x2000  }
0x93: {  	[sflag:s7] =	ssyncset.done $0x0  }
0x94: {  	s8 =	simm.s32 $0xE;
	[sflag:s7] =	ssyncadd.s32 $0xFFFFE000  }
0x95: {  	_ =	swait.ge [sflag:s8], $0x2000  }
0x96: {  	[sflag:s8] =	ssyncset.done $0x0  }
0x97: {  	s22 =	simm.s32 $0xF;
	[sflag:s8] =	ssyncadd.s32 $0xFFFFE000  }
0x98: {  	_ =	swait.ge [sflag:s22], $0x2000  }
0x99: {  	[sflag:s22] =	ssyncset.done $0x0  }
0x9a: {  	s5 =	simm.s32 $0x10;
	[sflag:s22] =	ssyncadd.s32 $0xFFFFE000  }
0x9b: {  	_ =	swait.ge [sflag:s5], $0x2000  }
0x9c: {  	[sflag:s5] =	ssyncset.done $0x0  }
0x9d: {  	s6 =	simm.s32 $0x11;
	[sflag:s5] =	ssyncadd.s32 $0xFFFFE000  }
0x9e: {  	_ =	swait.ge [sflag:s6], $0x2000  }
0x9f: {  	[sflag:s6] =	ssyncset.done $0x0  }
0xa0: {  	s7 =	simm.s32 $0x12;
	[sflag:s6] =	ssyncadd.s32 $0xFFFFE000  }
0xa1: {  	_ =	swait.ge [sflag:s7], $0x2000  }
0xa2: {  	[sflag:s7] =	ssyncset.done $0x0  }
0xa3: {  	s8 =	simm.s32 $0x13;
	[sflag:s7] =	ssyncadd.s32 $0xFFFFE000  }
0xa4: {  	_ =	swait.ge [sflag:s8], $0x2000  }
0xa5: {  	[sflag:s8] =	ssyncset.done $0x0  }
0xa6: {  	[sflag:s8] =	ssyncadd.s32 $0xFFFFE000  }
0xa7: {  	_ =	swait.ge [sflag:s24], $0x2000  }
0xa8: {  	s26 =	sadd.s32 $0x1, s26;
	s22 =	rddreg [dreg:$0x6]  }
0xa9: {  	p1 =	sne.s32 s26, s22  }
.Ltmp1:
0xaa: {  	_ = 	snop;
	(pc) =	sbr.rel @p1 .LBB2_1-.Ltmp1, $3  }
0xab: {  	_ =	sdelay $0x1  }
0xac: {  	[sflag:s24] =	ssyncset.done $0x0  }
0xad: {  	[sflag:s24] =	ssyncadd.s32 $0xFFFFE000  }
0xae: {  	_ =	sfence.sel $0x180000  }
0xaf: {  	[bflag:$0x0] =	sbarrier.arrive $0xFFFF  }
0xb0: {  	_ =	strace $0x90000047  }
0xb1: {  	[bflag:$0x2] =	sbarrier.arrive $0xFFFF  }
0xb2: {  	s0 =	rddreg [dreg:$0x4]  }
0xb3: {  	s0 =	sadd.s32 @!p0 $0x100000, s0  }
0xb4: {  	[sflag:s0] =	ssyncadd.tile.s32 @!p0 $0x1;
	_ =	shalt  }
.Lfunc_end2:
_tile_overlayer_lowered:
.L_overlay_start_2:
0xb5: {  	(tag) =	ssettag $0x2  }
0xb6: {  	s0 =	rddreg [dreg:$0x0];
	s2 =	stileid.u32  }
0xb7: {  	s1 =	rddreg [dreg:$0x1];
	p0 =	sne.s32 s2, $0x0  }
0xb8: {  	s3 =	rddreg [dreg:$0x2];
	[bflag:$0x3] =	sbarrier.arrive $0xFFFF;
	s2 =	simm.s32 @!p0 $0x1C15  }
0xb9: {  	[timem:s3], [sflag:s2] =	dma.local @!p0 [hbm:s0], s1  }
0xba: {  	s0 =	simm.s32 @!p0 $0x15  }
0xbb: {  	_ =	swait.ge @!p0 [sflag:s0], s1  }
0xbc: {  	s1 =	ssub.s32 @!p0 $0x0, s1;
	[sflag:s0] =	ssyncset.done @!p0 $0x0  }
0xbd: {  	[sflag:s0] =	ssyncadd.s32 @!p0 s1  }
0xbe: {  	[bflag:$0x3] =	sbarrier.arrive $0xFFFF  }
0xbf: {  	_ =	shalt  }

</sc_bundles>
